<compile_context>
chip_gen: v7x
topology: tpu7x:2x2x1
jax: 0.10.2.dev20260603
libtpu: 0.0.44.dev20260713+nightly
codegen_flags: <defaults>
</compile_context>

<pallas_src>
import functools

import jax
import jax.numpy as jnp
from jax import lax
from jax.experimental import pallas as pl
from jax.experimental.pallas import tpu as pltpu
from jax.experimental.pallas import tpu_sc as plsc

BATCH = 16384
EMBED_DIM = 64
LANES = 16
VREGS_PER_ROW = EMBED_DIM // LANES

NUM_CORES = 2
NUM_SUBCORES = 16
NUM_WORKERS = NUM_CORES * NUM_SUBCORES
B_PER_W = BATCH // NUM_WORKERS
IDX_CHUNK = 128
N_CHUNKS = B_PER_W // IDX_CHUNK
GROUPS = B_PER_W // LANES
GROUPS_PER_CHUNK = IDX_CHUNK // LANES


def _make_sc_kernel():
    mesh = plsc.VectorSubcoreMesh(core_axis_name="c", subcore_axis_name="s")

    @functools.partial(
        pl.kernel,
        mesh=mesh,
        compiler_params=pltpu.CompilerParams(
            needs_layout_passes=False, use_tc_tiling_on_sc=False),
        out_type=jax.ShapeDtypeStruct((BATCH,), jnp.float32),
        scratch_types=[
            pltpu.VMEM((N_CHUNKS, IDX_CHUNK), jnp.int32),
            pltpu.VMEM((N_CHUNKS, IDX_CHUNK), jnp.int32),
            pltpu.VMEM((N_CHUNKS, IDX_CHUNK, EMBED_DIM), jnp.float32),
            pltpu.VMEM((N_CHUNKS, IDX_CHUNK, EMBED_DIM), jnp.float32),
            pltpu.VMEM((B_PER_W,), jnp.float32),
            pltpu.SemaphoreType.DMA,
        ],
    )
    def sc_kernel(user_hbm, item_hbm, utab_hbm, itab_hbm, out_hbm,
                  uidx, iidx, urows, irows, outv, sem):
        wid = lax.axis_index("s") * NUM_CORES + lax.axis_index("c")
        base = wid * B_PER_W

        for ch in range(N_CHUNKS):
            pltpu.sync_copy(user_hbm.at[pl.ds(base + ch * IDX_CHUNK, IDX_CHUNK)],
                            uidx.at[ch])
            pltpu.sync_copy(item_hbm.at[pl.ds(base + ch * IDX_CHUNK, IDX_CHUNK)],
                            iidx.at[ch])

        copies = []
        for ch in range(N_CHUNKS):
            copies.append(pltpu.async_copy(utab_hbm.at[uidx.at[ch]],
                                           urows.at[ch], sem))
            copies.append(pltpu.async_copy(itab_hbm.at[iidx.at[ch]],
                                           irows.at[ch], sem))
        for c in copies:
            c.wait()

        lane_iota = lax.iota(jnp.int32, LANES)

        def group_body(g, carry):
            ch = g // GROUPS_PER_CHUNK
            b0 = (g % GROUPS_PER_CHUNK) * LANES
            acc = jnp.zeros((LANES,), jnp.float32)
            for bs in range(LANES):
                b = b0 + bs
                p = None
                for j in range(VREGS_PER_ROW):
                    u = urows[ch, b, pl.ds(j * LANES, LANES)]
                    v = irows[ch, b, pl.ds(j * LANES, LANES)]
                    p = u * v if p is None else p + u * v
                acc = jnp.where(lane_iota == bs, jnp.sum(p), acc)
            outv[pl.ds(g * LANES, LANES)] = 1.0 / (1.0 + jnp.exp(-acc))
            return carry

        lax.fori_loop(0, GROUPS, group_body, 0)

        pltpu.sync_copy(outv, out_hbm.at[pl.ds(base, B_PER_W)])

    return sc_kernel


_SC_KERNEL = _make_sc_kernel()


def kernel(user, item, user_table, item_table):
    return _SC_KERNEL(user, item, user_table, item_table)

# --- scband reference (transcript-rebuilt; emitter-appended) ---
"""Pipeline reference for scband-signal-mf-31387620999899 (READ-ONLY COPY).

The authoritative reference and input builder live on the scoring server;
editing this copy changes nothing except your own understanding.
"""

import jax, jax.numpy as jnp
import numpy as np

N_USERS = 1000000
N_ITEMS = 1000000
EMBED_DIM = 64
BATCH = 16384

def setup_inputs(seed: int = 0) -> dict:
    key = jax.random.key(seed)
    k_user, k_item, k_ut, k_it = jax.random.split(key, 4)
    user = jax.random.randint(k_user, (BATCH,), 0, N_USERS, dtype=jnp.int64 if jax.config.jax_enable_x64 else jnp.int32).astype(jnp.int32)
    item = jax.random.randint(k_item, (BATCH,), 0, N_ITEMS, dtype=jnp.int64 if jax.config.jax_enable_x64 else jnp.int32).astype(jnp.int32)
    # xavier_uniform init: bound = sqrt(6/(fan_in+fan_out))
    bound_u = float(np.sqrt(6.0 / (N_USERS + EMBED_DIM)))
    bound_i = float(np.sqrt(6.0 / (N_ITEMS + EMBED_DIM)))
    user_table = jax.random.uniform(k_ut, (N_USERS, EMBED_DIM), minval=-bound_u, maxval=bound_u, dtype=jnp.float32)
    item_table = jax.random.uniform(k_it, (N_ITEMS, EMBED_DIM), minval=-bound_i, maxval=bound_i, dtype=jnp.float32)
    return {"user": user, "item": item, "user_table": user_table, "item_table": item_table}

def reference(user, item, user_table, item_table):
    user_embed = jnp.take(user_table, user, axis=0)
    item_embed = jnp.take(item_table, item, axis=0)
    predicted_rating = jnp.sum(user_embed * item_embed, axis=1)
    predicted_rating = jax.nn.sigmoid(predicted_rating)
    return predicted_rating

if __name__ == "__main__":
    import jax
    _d = setup_inputs()
    print(jax.jit(kernel)(*tuple(_d.values())))

</pallas_src>

<mosaic_0001>
#map = affine_map<(d0, d1) -> (0)>
#map1 = affine_map<(d0, d1) -> (0, 0)>
module attributes {stable_mosaic.version = 14 : i64} {
  func.func @sc_kernel(%arg0: i32, %arg1: i32, %arg2: memref<16384xi32, #tpu.memory_space<hbm>>, %arg3: memref<16384xi32, #tpu.memory_space<hbm>>, %arg4: memref<1000000x64xf32, #tpu.memory_space<hbm>>, %arg5: memref<1000000x64xf32, #tpu.memory_space<hbm>>, %arg6: memref<16384xf32, #tpu.memory_space<hbm>>, %arg7: memref<4x128xi32, #tpu.memory_space<vmem>>, %arg8: memref<4x128xi32, #tpu.memory_space<vmem>>, %arg9: memref<4x128x64xf32, #tpu.memory_space<vmem>>, %arg10: memref<4x128x64xf32, #tpu.memory_space<vmem>>, %arg11: memref<512xf32, #tpu.memory_space<vmem>>, %arg12: memref<!tpu.dma_semaphore, #tpu.memory_space<semaphore_mem>>) attributes {dimension_semantics = [#tpu.dimension_semantics<core_parallel>, #tpu.dimension_semantics<subcore_parallel>], iteration_bounds = array<i64: 2, 16>, scalar_prefetch = 0 : i64, scratch_operands = 6 : i64, tpu.core_type = #tpu.core_type<sc_vector_subcore>, window_params = [{transform_indices = #map}, {transform_indices = #map}, {transform_indices = #map1}, {transform_indices = #map1}, {transform_indices = #map}]} {
    %mul3A = arith.constant 2 : i32
    %mul3A_0 = arith.muli %arg1, %mul3A : i32
    %add3A = arith.addi %mul3A_0, %arg0 : i32
    %mul3A_1 = arith.constant 512 : i32
    %mul3A_2 = arith.muli %add3A, %mul3A_1 : i32
    %add3A_3 = arith.constant 0 : i32
    %add3A_4 = arith.addi %mul3A_2, %add3A_3 : i32
    %run_scoped3A = arith.constant 0 : i32
    "tpu.region"() ({
      %run_scoped3A_221 = tpu.sem_alloc : memref<!tpu.dma_semaphore, #tpu.memory_space<semaphore_mem>>
      %dma_start3A_222 = arith.constant 0 : i32
      %dma_start3A_223 = tpu.memref_slice %arg7[%run_scoped3A, %dma_start3A_222] : memref<4x128xi32, #tpu.memory_space<vmem>> -> memref<1x128xi32, #tpu.memory_space<vmem>>
      %dma_start3A_224 = tpu.memref_squeeze %dma_start3A_223 : memref<1x128xi32, #tpu.memory_space<vmem>> -> memref<128xi32, #tpu.memory_space<vmem>>
      %dma_start3A_225 = tpu.memref_slice %arg2[%add3A_4] : memref<16384xi32, #tpu.memory_space<hbm>> -> memref<128xi32, #tpu.memory_space<hbm>>
      %dma_start3A_226 = arith.constant 0 : i32
      %dma_start3A_227 = tpu.memref_slice %arg7[%run_scoped3A, %dma_start3A_226] : memref<4x128xi32, #tpu.memory_space<vmem>> -> memref<1x128xi32, #tpu.memory_space<vmem>>
      %dma_start3A_228 = tpu.memref_squeeze %dma_start3A_227 : memref<1x128xi32, #tpu.memory_space<vmem>> -> memref<128xi32, #tpu.memory_space<vmem>>
      %dma_start3A_229 = tpu.memref_slice %arg2[%add3A_4] : memref<16384xi32, #tpu.memory_space<hbm>> -> memref<128xi32, #tpu.memory_space<hbm>>
      tpu.enqueue_dma source(%dma_start3A_229 : memref<128xi32, #tpu.memory_space<hbm>>) target(%dma_start3A_228 : memref<128xi32, #tpu.memory_space<vmem>>) target_semaphore(%run_scoped3A_221 : memref<!tpu.dma_semaphore, #tpu.memory_space<semaphore_mem>>)
      %dma_wait3A_230 = arith.constant 0 : i32
      %dma_wait3A_231 = tpu.memref_slice %arg7[%run_scoped3A, %dma_wait3A_230] : memref<4x128xi32, #tpu.memory_space<vmem>> -> memref<1x128xi32, #tpu.memory_space<vmem>>
      %dma_wait3A_232 = tpu.memref_squeeze %dma_wait3A_231 : memref<1x128xi32, #tpu.memory_space<vmem>> -> memref<128xi32, #tpu.memory_space<vmem>>
      %dma_wait3A_233 = tpu.memref_slice %arg2[%add3A_4] : memref<16384xi32, #tpu.memory_space<hbm>> -> memref<128xi32, #tpu.memory_space<hbm>>
      %dma_wait3A_234 = arith.constant 0 : i32
      %dma_wait3A_235 = tpu.memref_slice %arg7[%run_scoped3A, %dma_wait3A_234] : memref<4x128xi32, #tpu.memory_space<vmem>> -> memref<1x128xi32, #tpu.memory_space<vmem>>
      %dma_wait3A_236 = tpu.memref_squeeze %dma_wait3A_235 : memref<1x128xi32, #tpu.memory_space<vmem>> -> memref<128xi32, #tpu.memory_space<vmem>>
      %dma_wait3A_237 = tpu.memref_slice %arg2[%add3A_4] : memref<16384xi32, #tpu.memory_space<hbm>> -> memref<128xi32, #tpu.memory_space<hbm>>
      tpu.wait_dma2 semaphore(%run_scoped3A_221 : memref<!tpu.dma_semaphore, #tpu.memory_space<semaphore_mem>>) src(%dma_wait3A_237 : memref<128xi32, #tpu.memory_space<hbm>>) dst(%dma_wait3A_236 : memref<128xi32, #tpu.memory_space<vmem>>)
      tpu.yield
    }) : () -> ()
    %add3A_5 = arith.constant 0 : i32
    %add3A_6 = arith.addi %mul3A_2, %add3A_5 : i32
    %run_scoped3A_7 = arith.constant 0 : i32
    "tpu.region"() ({
      %run_scoped3A_221 = tpu.sem_alloc : memref<!tpu.dma_semaphore, #tpu.memory_space<semaphore_mem>>
      %dma_start3A_222 = arith.constant 0 : i32
      %dma_start3A_223 = tpu.memref_slice %arg8[%run_scoped3A_7, %dma_start3A_222] : memref<4x128xi32, #tpu.memory_space<vmem>> -> memref<1x128xi32, #tpu.memory_space<vmem>>
      %dma_start3A_224 = tpu.memref_squeeze %dma_start3A_223 : memref<1x128xi32, #tpu.memory_space<vmem>> -> memref<128xi32, #tpu.memory_space<vmem>>
      %dma_start3A_225 = tpu.memref_slice %arg3[%add3A_6] : memref<16384xi32, #tpu.memory_space<hbm>> -> memref<128xi32, #tpu.memory_space<hbm>>
      %dma_start3A_226 = arith.constant 0 : i32
      %dma_start3A_227 = tpu.memref_slice %arg8[%run_scoped3A_7, %dma_start3A_226] : memref<4x128xi32, #tpu.memory_space<vmem>> -> memref<1x128xi32, #tpu.memory_space<vmem>>
      %dma_start3A_228 = tpu.memref_squeeze %dma_start3A_227 : memref<1x128xi32, #tpu.memory_space<vmem>> -> memref<128xi32, #tpu.memory_space<vmem>>
      %dma_start3A_229 = tpu.memref_slice %arg3[%add3A_6] : memref<16384xi32, #tpu.memory_space<hbm>> -> memref<128xi32, #tpu.memory_space<hbm>>
      tpu.enqueue_dma source(%dma_start3A_229 : memref<128xi32, #tpu.memory_space<hbm>>) target(%dma_start3A_228 : memref<128xi32, #tpu.memory_space<vmem>>) target_semaphore(%run_scoped3A_221 : memref<!tpu.dma_semaphore, #tpu.memory_space<semaphore_mem>>)
      %dma_wait3A_230 = arith.constant 0 : i32
      %dma_wait3A_231 = tpu.memref_slice %arg8[%run_scoped3A_7, %dma_wait3A_230] : memref<4x128xi32, #tpu.memory_space<vmem>> -> memref<1x128xi32, #tpu.memory_space<vmem>>
      %dma_wait3A_232 = tpu.memref_squeeze %dma_wait3A_231 : memref<1x128xi32, #tpu.memory_space<vmem>> -> memref<128xi32, #tpu.memory_space<vmem>>
      %dma_wait3A_233 = tpu.memref_slice %arg3[%add3A_6] : memref<16384xi32, #tpu.memory_space<hbm>> -> memref<128xi32, #tpu.memory_space<hbm>>
      %dma_wait3A_234 = arith.constant 0 : i32
      %dma_wait3A_235 = tpu.memref_slice %arg8[%run_scoped3A_7, %dma_wait3A_234] : memref<4x128xi32, #tpu.memory_space<vmem>> -> memref<1x128xi32, #tpu.memory_space<vmem>>
      %dma_wait3A_236 = tpu.memref_squeeze %dma_wait3A_235 : memref<1x128xi32, #tpu.memory_space<vmem>> -> memref<128xi32, #tpu.memory_space<vmem>>
      %dma_wait3A_237 = tpu.memref_slice %arg3[%add3A_6] : memref<16384xi32, #tpu.memory_space<hbm>> -> memref<128xi32, #tpu.memory_space<hbm>>
      tpu.wait_dma2 semaphore(%run_scoped3A_221 : memref<!tpu.dma_semaphore, #tpu.memory_space<semaphore_mem>>) src(%dma_wait3A_237 : memref<128xi32, #tpu.memory_space<hbm>>) dst(%dma_wait3A_236 : memref<128xi32, #tpu.memory_space<vmem>>)
      tpu.yield
    }) : () -> ()
    %add3A_8 = arith.constant 128 : i32
    %add3A_9 = arith.addi %mul3A_2, %add3A_8 : i32
    %run_scoped3A_10 = arith.constant 1 : i32
    "tpu.region"() ({
      %run_scoped3A_221 = tpu.sem_alloc : memref<!tpu.dma_semaphore, #tpu.memory_space<semaphore_mem>>
      %dma_start3A_222 = arith.constant 0 : i32
      %dma_start3A_223 = tpu.memref_slice %arg7[%run_scoped3A_10, %dma_start3A_222] : memref<4x128xi32, #tpu.memory_space<vmem>> -> memref<1x128xi32, #tpu.memory_space<vmem>>
      %dma_start3A_224 = tpu.memref_squeeze %dma_start3A_223 : memref<1x128xi32, #tpu.memory_space<vmem>> -> memref<128xi32, #tpu.memory_space<vmem>>
      %dma_start3A_225 = tpu.memref_slice %arg2[%add3A_9] : memref<16384xi32, #tpu.memory_space<hbm>> -> memref<128xi32, #tpu.memory_space<hbm>>
      %dma_start3A_226 = arith.constant 0 : i32
      %dma_start3A_227 = tpu.memref_slice %arg7[%run_scoped3A_10, %dma_start3A_226] : memref<4x128xi32, #tpu.memory_space<vmem>> -> memref<1x128xi32, #tpu.memory_space<vmem>>
      %dma_start3A_228 = tpu.memref_squeeze %dma_start3A_227 : memref<1x128xi32, #tpu.memory_space<vmem>> -> memref<128xi32, #tpu.memory_space<vmem>>
      %dma_start3A_229 = tpu.memref_slice %arg2[%add3A_9] : memref<16384xi32, #tpu.memory_space<hbm>> -> memref<128xi32, #tpu.memory_space<hbm>>
      tpu.enqueue_dma source(%dma_start3A_229 : memref<128xi32, #tpu.memory_space<hbm>>) target(%dma_start3A_228 : memref<128xi32, #tpu.memory_space<vmem>>) target_semaphore(%run_scoped3A_221 : memref<!tpu.dma_semaphore, #tpu.memory_space<semaphore_mem>>)
      %dma_wait3A_230 = arith.constant 0 : i32
      %dma_wait3A_231 = tpu.memref_slice %arg7[%run_scoped3A_10, %dma_wait3A_230] : memref<4x128xi32, #tpu.memory_space<vmem>> -> memref<1x128xi32, #tpu.memory_space<vmem>>
      %dma_wait3A_232 = tpu.memref_squeeze %dma_wait3A_231 : memref<1x128xi32, #tpu.memory_space<vmem>> -> memref<128xi32, #tpu.memory_space<vmem>>
      %dma_wait3A_233 = tpu.memref_slice %arg2[%add3A_9] : memref<16384xi32, #tpu.memory_space<hbm>> -> memref<128xi32, #tpu.memory_space<hbm>>
      %dma_wait3A_234 = arith.constant 0 : i32
      %dma_wait3A_235 = tpu.memref_slice %arg7[%run_scoped3A_10, %dma_wait3A_234] : memref<4x128xi32, #tpu.memory_space<vmem>> -> memref<1x128xi32, #tpu.memory_space<vmem>>
      %dma_wait3A_236 = tpu.memref_squeeze %dma_wait3A_235 : memref<1x128xi32, #tpu.memory_space<vmem>> -> memref<128xi32, #tpu.memory_space<vmem>>
      %dma_wait3A_237 = tpu.memref_slice %arg2[%add3A_9] : memref<16384xi32, #tpu.memory_space<hbm>> -> memref<128xi32, #tpu.memory_space<hbm>>
      tpu.wait_dma2 semaphore(%run_scoped3A_221 : memref<!tpu.dma_semaphore, #tpu.memory_space<semaphore_mem>>) src(%dma_wait3A_237 : memref<128xi32, #tpu.memory_space<hbm>>) dst(%dma_wait3A_236 : memref<128xi32, #tpu.memory_space<vmem>>)
      tpu.yield
    }) : () -> ()
    %add3A_11 = arith.constant 128 : i32
    %add3A_12 = arith.addi %mul3A_2, %add3A_11 : i32
    %run_scoped3A_13 = arith.constant 1 : i32
    "tpu.region"() ({
      %run_scoped3A_221 = tpu.sem_alloc : memref<!tpu.dma_semaphore, #tpu.memory_space<semaphore_mem>>
      %dma_start3A_222 = arith.constant 0 : i32
      %dma_start3A_223 = tpu.memref_slice %arg8[%run_scoped3A_13, %dma_start3A_222] : memref<4x128xi32, #tpu.memory_space<vmem>> -> memref<1x128xi32, #tpu.memory_space<vmem>>
      %dma_start3A_224 = tpu.memref_squeeze %dma_start3A_223 : memref<1x128xi32, #tpu.memory_space<vmem>> -> memref<128xi32, #tpu.memory_space<vmem>>
      %dma_start3A_225 = tpu.memref_slice %arg3[%add3A_12] : memref<16384xi32, #tpu.memory_space<hbm>> -> memref<128xi32, #tpu.memory_space<hbm>>
      %dma_start3A_226 = arith.constant 0 : i32
      %dma_start3A_227 = tpu.memref_slice %arg8[%run_scoped3A_13, %dma_start3A_226] : memref<4x128xi32, #tpu.memory_space<vmem>> -> memref<1x128xi32, #tpu.memory_space<vmem>>
      %dma_start3A_228 = tpu.memref_squeeze %dma_start3A_227 : memref<1x128xi32, #tpu.memory_space<vmem>> -> memref<128xi32, #tpu.memory_space<vmem>>
      %dma_start3A_229 = tpu.memref_slice %arg3[%add3A_12] : memref<16384xi32, #tpu.memory_space<hbm>> -> memref<128xi32, #tpu.memory_space<hbm>>
      tpu.enqueue_dma source(%dma_start3A_229 : memref<128xi32, #tpu.memory_space<hbm>>) target(%dma_start3A_228 : memref<128xi32, #tpu.memory_space<vmem>>) target_semaphore(%run_scoped3A_221 : memref<!tpu.dma_semaphore, #tpu.memory_space<semaphore_mem>>)
      %dma_wait3A_230 = arith.constant 0 : i32
      %dma_wait3A_231 = tpu.memref_slice %arg8[%run_scoped3A_13, %dma_wait3A_230] : memref<4x128xi32, #tpu.memory_space<vmem>> -> memref<1x128xi32, #tpu.memory_space<vmem>>
      %dma_wait3A_232 = tpu.memref_squeeze %dma_wait3A_231 : memref<1x128xi32, #tpu.memory_space<vmem>> -> memref<128xi32, #tpu.memory_space<vmem>>
      %dma_wait3A_233 = tpu.memref_slice %arg3[%add3A_12] : memref<16384xi32, #tpu.memory_space<hbm>> -> memref<128xi32, #tpu.memory_space<hbm>>
      %dma_wait3A_234 = arith.constant 0 : i32
      %dma_wait3A_235 = tpu.memref_slice %arg8[%run_scoped3A_13, %dma_wait3A_234] : memref<4x128xi32, #tpu.memory_space<vmem>> -> memref<1x128xi32, #tpu.memory_space<vmem>>
      %dma_wait3A_236 = tpu.memref_squeeze %dma_wait3A_235 : memref<1x128xi32, #tpu.memory_space<vmem>> -> memref<128xi32, #tpu.memory_space<vmem>>
      %dma_wait3A_237 = tpu.memref_slice %arg3[%add3A_12] : memref<16384xi32, #tpu.memory_space<hbm>> -> memref<128xi32, #tpu.memory_space<hbm>>
      tpu.wait_dma2 semaphore(%run_scoped3A_221 : memref<!tpu.dma_semaphore, #tpu.memory_space<semaphore_mem>>) src(%dma_wait3A_237 : memref<128xi32, #tpu.memory_space<hbm>>) dst(%dma_wait3A_236 : memref<128xi32, #tpu.memory_space<vmem>>)
      tpu.yield
    }) : () -> ()
    %add3A_14 = arith.constant 256 : i32
    %add3A_15 = arith.addi %mul3A_2, %add3A_14 : i32
    %run_scoped3A_16 = arith.constant 2 : i32
    "tpu.region"() ({
      %run_scoped3A_221 = tpu.sem_alloc : memref<!tpu.dma_semaphore, #tpu.memory_space<semaphore_mem>>
      %dma_start3A_222 = arith.constant 0 : i32
      %dma_start3A_223 = tpu.memref_slice %arg7[%run_scoped3A_16, %dma_start3A_222] : memref<4x128xi32, #tpu.memory_space<vmem>> -> memref<1x128xi32, #tpu.memory_space<vmem>>
      %dma_start3A_224 = tpu.memref_squeeze %dma_start3A_223 : memref<1x128xi32, #tpu.memory_space<vmem>> -> memref<128xi32, #tpu.memory_space<vmem>>
      %dma_start3A_225 = tpu.memref_slice %arg2[%add3A_15] : memref<16384xi32, #tpu.memory_space<hbm>> -> memref<128xi32, #tpu.memory_space<hbm>>
      %dma_start3A_226 = arith.constant 0 : i32
      %dma_start3A_227 = tpu.memref_slice %arg7[%run_scoped3A_16, %dma_start3A_226] : memref<4x128xi32, #tpu.memory_space<vmem>> -> memref<1x128xi32, #tpu.memory_space<vmem>>
      %dma_start3A_228 = tpu.memref_squeeze %dma_start3A_227 : memref<1x128xi32, #tpu.memory_space<vmem>> -> memref<128xi32, #tpu.memory_space<vmem>>
      %dma_start3A_229 = tpu.memref_slice %arg2[%add3A_15] : memref<16384xi32, #tpu.memory_space<hbm>> -> memref<128xi32, #tpu.memory_space<hbm>>
      tpu.enqueue_dma source(%dma_start3A_229 : memref<128xi32, #tpu.memory_space<hbm>>) target(%dma_start3A_228 : memref<128xi32, #tpu.memory_space<vmem>>) target_semaphore(%run_scoped3A_221 : memref<!tpu.dma_semaphore, #tpu.memory_space<semaphore_mem>>)
      %dma_wait3A_230 = arith.constant 0 : i32
      %dma_wait3A_231 = tpu.memref_slice %arg7[%run_scoped3A_16, %dma_wait3A_230] : memref<4x128xi32, #tpu.memory_space<vmem>> -> memref<1x128xi32, #tpu.memory_space<vmem>>
      %dma_wait3A_232 = tpu.memref_squeeze %dma_wait3A_231 : memref<1x128xi32, #tpu.memory_space<vmem>> -> memref<128xi32, #tpu.memory_space<vmem>>
      %dma_wait3A_233 = tpu.memref_slice %arg2[%add3A_15] : memref<16384xi32, #tpu.memory_space<hbm>> -> memref<128xi32, #tpu.memory_space<hbm>>
      %dma_wait3A_234 = arith.constant 0 : i32
      %dma_wait3A_235 = tpu.memref_slice %arg7[%run_scoped3A_16, %dma_wait3A_234] : memref<4x128xi32, #tpu.memory_space<vmem>> -> memref<1x128xi32, #tpu.memory_space<vmem>>
      %dma_wait3A_236 = tpu.memref_squeeze %dma_wait3A_235 : memref<1x128xi32, #tpu.memory_space<vmem>> -> memref<128xi32, #tpu.memory_space<vmem>>
      %dma_wait3A_237 = tpu.memref_slice %arg2[%add3A_15] : memref<16384xi32, #tpu.memory_space<hbm>> -> memref<128xi32, #tpu.memory_space<hbm>>
      tpu.wait_dma2 semaphore(%run_scoped3A_221 : memref<!tpu.dma_semaphore, #tpu.memory_space<semaphore_mem>>) src(%dma_wait3A_237 : memref<128xi32, #tpu.memory_space<hbm>>) dst(%dma_wait3A_236 : memref<128xi32, #tpu.memory_space<vmem>>)
      tpu.yield
    }) : () -> ()
    %add3A_17 = arith.constant 256 : i32
    %add3A_18 = arith.addi %mul3A_2, %add3A_17 : i32
    %run_scoped3A_19 = arith.constant 2 : i32
    "tpu.region"() ({
      %run_scoped3A_221 = tpu.sem_alloc : memref<!tpu.dma_semaphore, #tpu.memory_space<semaphore_mem>>
      %dma_start3A_222 = arith.constant 0 : i32
      %dma_start3A_223 = tpu.memref_slice %arg8[%run_scoped3A_19, %dma_start3A_222] : memref<4x128xi32, #tpu.memory_space<vmem>> -> memref<1x128xi32, #tpu.memory_space<vmem>>
      %dma_start3A_224 = tpu.memref_squeeze %dma_start3A_223 : memref<1x128xi32, #tpu.memory_space<vmem>> -> memref<128xi32, #tpu.memory_space<vmem>>
      %dma_start3A_225 = tpu.memref_slice %arg3[%add3A_18] : memref<16384xi32, #tpu.memory_space<hbm>> -> memref<128xi32, #tpu.memory_space<hbm>>
      %dma_start3A_226 = arith.constant 0 : i32
      %dma_start3A_227 = tpu.memref_slice %arg8[%run_scoped3A_19, %dma_start3A_226] : memref<4x128xi32, #tpu.memory_space<vmem>> -> memref<1x128xi32, #tpu.memory_space<vmem>>
      %dma_start3A_228 = tpu.memref_squeeze %dma_start3A_227 : memref<1x128xi32, #tpu.memory_space<vmem>> -> memref<128xi32, #tpu.memory_space<vmem>>
      %dma_start3A_229 = tpu.memref_slice %arg3[%add3A_18] : memref<16384xi32, #tpu.memory_space<hbm>> -> memref<128xi32, #tpu.memory_space<hbm>>
      tpu.enqueue_dma source(%dma_start3A_229 : memref<128xi32, #tpu.memory_space<hbm>>) target(%dma_start3A_228 : memref<128xi32, #tpu.memory_space<vmem>>) target_semaphore(%run_scoped3A_221 : memref<!tpu.dma_semaphore, #tpu.memory_space<semaphore_mem>>)
      %dma_wait3A_230 = arith.constant 0 : i32
      %dma_wait3A_231 = tpu.memref_slice %arg8[%run_scoped3A_19, %dma_wait3A_230] : memref<4x128xi32, #tpu.memory_space<vmem>> -> memref<1x128xi32, #tpu.memory_space<vmem>>
      %dma_wait3A_232 = tpu.memref_squeeze %dma_wait3A_231 : memref<1x128xi32, #tpu.memory_space<vmem>> -> memref<128xi32, #tpu.memory_space<vmem>>
      %dma_wait3A_233 = tpu.memref_slice %arg3[%add3A_18] : memref<16384xi32, #tpu.memory_space<hbm>> -> memref<128xi32, #tpu.memory_space<hbm>>
      %dma_wait3A_234 = arith.constant 0 : i32
      %dma_wait3A_235 = tpu.memref_slice %arg8[%run_scoped3A_19, %dma_wait3A_234] : memref<4x128xi32, #tpu.memory_space<vmem>> -> memref<1x128xi32, #tpu.memory_space<vmem>>
      %dma_wait3A_236 = tpu.memref_squeeze %dma_wait3A_235 : memref<1x128xi32, #tpu.memory_space<vmem>> -> memref<128xi32, #tpu.memory_space<vmem>>
      %dma_wait3A_237 = tpu.memref_slice %arg3[%add3A_18] : memref<16384xi32, #tpu.memory_space<hbm>> -> memref<128xi32, #tpu.memory_space<hbm>>
      tpu.wait_dma2 semaphore(%run_scoped3A_221 : memref<!tpu.dma_semaphore, #tpu.memory_space<semaphore_mem>>) src(%dma_wait3A_237 : memref<128xi32, #tpu.memory_space<hbm>>) dst(%dma_wait3A_236 : memref<128xi32, #tpu.memory_space<vmem>>)
      tpu.yield
    }) : () -> ()
    %add3A_20 = arith.constant 384 : i32
    %add3A_21 = arith.addi %mul3A_2, %add3A_20 : i32
    %run_scoped3A_22 = arith.constant 3 : i32
    "tpu.region"() ({
      %run_scoped3A_221 = tpu.sem_alloc : memref<!tpu.dma_semaphore, #tpu.memory_space<semaphore_mem>>
      %dma_start3A_222 = arith.constant 0 : i32
      %dma_start3A_223 = tpu.memref_slice %arg7[%run_scoped3A_22, %dma_start3A_222] : memref<4x128xi32, #tpu.memory_space<vmem>> -> memref<1x128xi32, #tpu.memory_space<vmem>>
      %dma_start3A_224 = tpu.memref_squeeze %dma_start3A_223 : memref<1x128xi32, #tpu.memory_space<vmem>> -> memref<128xi32, #tpu.memory_space<vmem>>
      %dma_start3A_225 = tpu.memref_slice %arg2[%add3A_21] : memref<16384xi32, #tpu.memory_space<hbm>> -> memref<128xi32, #tpu.memory_space<hbm>>
      %dma_start3A_226 = arith.constant 0 : i32
      %dma_start3A_227 = tpu.memref_slice %arg7[%run_scoped3A_22, %dma_start3A_226] : memref<4x128xi32, #tpu.memory_space<vmem>> -> memref<1x128xi32, #tpu.memory_space<vmem>>
      %dma_start3A_228 = tpu.memref_squeeze %dma_start3A_227 : memref<1x128xi32, #tpu.memory_space<vmem>> -> memref<128xi32, #tpu.memory_space<vmem>>
      %dma_start3A_229 = tpu.memref_slice %arg2[%add3A_21] : memref<16384xi32, #tpu.memory_space<hbm>> -> memref<128xi32, #tpu.memory_space<hbm>>
      tpu.enqueue_dma source(%dma_start3A_229 : memref<128xi32, #tpu.memory_space<hbm>>) target(%dma_start3A_228 : memref<128xi32, #tpu.memory_space<vmem>>) target_semaphore(%run_scoped3A_221 : memref<!tpu.dma_semaphore, #tpu.memory_space<semaphore_mem>>)
      %dma_wait3A_230 = arith.constant 0 : i32
      %dma_wait3A_231 = tpu.memref_slice %arg7[%run_scoped3A_22, %dma_wait3A_230] : memref<4x128xi32, #tpu.memory_space<vmem>> -> memref<1x128xi32, #tpu.memory_space<vmem>>
      %dma_wait3A_232 = tpu.memref_squeeze %dma_wait3A_231 : memref<1x128xi32, #tpu.memory_space<vmem>> -> memref<128xi32, #tpu.memory_space<vmem>>
      %dma_wait3A_233 = tpu.memref_slice %arg2[%add3A_21] : memref<16384xi32, #tpu.memory_space<hbm>> -> memref<128xi32, #tpu.memory_space<hbm>>
      %dma_wait3A_234 = arith.constant 0 : i32
      %dma_wait3A_235 = tpu.memref_slice %arg7[%run_scoped3A_22, %dma_wait3A_234] : memref<4x128xi32, #tpu.memory_space<vmem>> -> memref<1x128xi32, #tpu.memory_space<vmem>>
      %dma_wait3A_236 = tpu.memref_squeeze %dma_wait3A_235 : memref<1x128xi32, #tpu.memory_space<vmem>> -> memref<128xi32, #tpu.memory_space<vmem>>
      %dma_wait3A_237 = tpu.memref_slice %arg2[%add3A_21] : memref<16384xi32, #tpu.memory_space<hbm>> -> memref<128xi32, #tpu.memory_space<hbm>>
      tpu.wait_dma2 semaphore(%run_scoped3A_221 : memref<!tpu.dma_semaphore, #tpu.memory_space<semaphore_mem>>) src(%dma_wait3A_237 : memref<128xi32, #tpu.memory_space<hbm>>) dst(%dma_wait3A_236 : memref<128xi32, #tpu.memory_space<vmem>>)
      tpu.yield
    }) : () -> ()
    %add3A_23 = arith.constant 384 : i32
    %add3A_24 = arith.addi %mul3A_2, %add3A_23 : i32
    %run_scoped3A_25 = arith.constant 3 : i32
    "tpu.region"() ({
      %run_scoped3A_221 = tpu.sem_alloc : memref<!tpu.dma_semaphore, #tpu.memory_space<semaphore_mem>>
      %dma_start3A_222 = arith.constant 0 : i32
      %dma_start3A_223 = tpu.memref_slice %arg8[%run_scoped3A_25, %dma_start3A_222] : memref<4x128xi32, #tpu.memory_space<vmem>> -> memref<1x128xi32, #tpu.memory_space<vmem>>
      %dma_start3A_224 = tpu.memref_squeeze %dma_start3A_223 : memref<1x128xi32, #tpu.memory_space<vmem>> -> memref<128xi32, #tpu.memory_space<vmem>>
      %dma_start3A_225 = tpu.memref_slice %arg3[%add3A_24] : memref<16384xi32, #tpu.memory_space<hbm>> -> memref<128xi32, #tpu.memory_space<hbm>>
      %dma_start3A_226 = arith.constant 0 : i32
      %dma_start3A_227 = tpu.memref_slice %arg8[%run_scoped3A_25, %dma_start3A_226] : memref<4x128xi32, #tpu.memory_space<vmem>> -> memref<1x128xi32, #tpu.memory_space<vmem>>
      %dma_start3A_228 = tpu.memref_squeeze %dma_start3A_227 : memref<1x128xi32, #tpu.memory_space<vmem>> -> memref<128xi32, #tpu.memory_space<vmem>>
      %dma_start3A_229 = tpu.memref_slice %arg3[%add3A_24] : memref<16384xi32, #tpu.memory_space<hbm>> -> memref<128xi32, #tpu.memory_space<hbm>>
      tpu.enqueue_dma source(%dma_start3A_229 : memref<128xi32, #tpu.memory_space<hbm>>) target(%dma_start3A_228 : memref<128xi32, #tpu.memory_space<vmem>>) target_semaphore(%run_scoped3A_221 : memref<!tpu.dma_semaphore, #tpu.memory_space<semaphore_mem>>)
      %dma_wait3A_230 = arith.constant 0 : i32
      %dma_wait3A_231 = tpu.memref_slice %arg8[%run_scoped3A_25, %dma_wait3A_230] : memref<4x128xi32, #tpu.memory_space<vmem>> -> memref<1x128xi32, #tpu.memory_space<vmem>>
      %dma_wait3A_232 = tpu.memref_squeeze %dma_wait3A_231 : memref<1x128xi32, #tpu.memory_space<vmem>> -> memref<128xi32, #tpu.memory_space<vmem>>
      %dma_wait3A_233 = tpu.memref_slice %arg3[%add3A_24] : memref<16384xi32, #tpu.memory_space<hbm>> -> memref<128xi32, #tpu.memory_space<hbm>>
      %dma_wait3A_234 = arith.constant 0 : i32
      %dma_wait3A_235 = tpu.memref_slice %arg8[%run_scoped3A_25, %dma_wait3A_234] : memref<4x128xi32, #tpu.memory_space<vmem>> -> memref<1x128xi32, #tpu.memory_space<vmem>>
      %dma_wait3A_236 = tpu.memref_squeeze %dma_wait3A_235 : memref<1x128xi32, #tpu.memory_space<vmem>> -> memref<128xi32, #tpu.memory_space<vmem>>
      %dma_wait3A_237 = tpu.memref_slice %arg3[%add3A_24] : memref<16384xi32, #tpu.memory_space<hbm>> -> memref<128xi32, #tpu.memory_space<hbm>>
      tpu.wait_dma2 semaphore(%run_scoped3A_221 : memref<!tpu.dma_semaphore, #tpu.memory_space<semaphore_mem>>) src(%dma_wait3A_237 : memref<128xi32, #tpu.memory_space<hbm>>) dst(%dma_wait3A_236 : memref<128xi32, #tpu.memory_space<vmem>>)
      tpu.yield
    }) : () -> ()
    %dma_start3A = arith.constant 0 : i32
    %dma_start3A_26 = arith.constant 0 : i32
    %dma_start3A_27 = arith.constant 0 : i32
    %dma_start3A_28 = arith.constant 0 : i32
    %dma_start3A_29 = tpu.memref_slice %arg9[%dma_start3A_26, %dma_start3A_27, %dma_start3A_28] : memref<4x128x64xf32, #tpu.memory_space<vmem>> -> memref<1x128x64xf32, #tpu.memory_space<vmem>>
    %dma_start3A_30 = tpu.memref_squeeze %dma_start3A_29 : memref<1x128x64xf32, #tpu.memory_space<vmem>> -> memref<128x64xf32, #tpu.memory_space<vmem>>
    %dma_start3A_31 = arith.constant 0 : i32
    %dma_start3A_32 = tpu.memref_slice %arg7[%dma_start3A, %dma_start3A_31] : memref<4x128xi32, #tpu.memory_space<vmem>> -> memref<1x128xi32, #tpu.memory_space<vmem>>
    %dma_start3A_33 = tpu.memref_squeeze %dma_start3A_32 : memref<1x128xi32, #tpu.memory_space<vmem>> -> memref<128xi32, #tpu.memory_space<vmem>>
    %dma_start3A_34 = arith.constant 0 : i32
    %dma_start3A_35 = arith.constant 0 : i32
    %dma_start3A_36 = tpu.memref_slice %arg4[%dma_start3A_34, %dma_start3A_35] : memref<1000000x64xf32, #tpu.memory_space<hbm>> -> memref<1000000x64xf32, #tpu.memory_space<hbm>>
    tpu.enqueue_indirect_dma source(%dma_start3A_36 : memref<1000000x64xf32, #tpu.memory_space<hbm>>) target(%dma_start3A_30 : memref<128x64xf32, #tpu.memory_space<vmem>>) offsets(%dma_start3A_33 : memref<128xi32, #tpu.memory_space<vmem>>) semaphore(%arg12 : memref<!tpu.dma_semaphore, #tpu.memory_space<semaphore_mem>>)
    %dma_start3A_37 = arith.constant 0 : i32
    %dma_start3A_38 = arith.constant 0 : i32
    %dma_start3A_39 = arith.constant 0 : i32
    %dma_start3A_40 = arith.constant 0 : i32
    %dma_start3A_41 = tpu.memref_slice %arg10[%dma_start3A_38, %dma_start3A_39, %dma_start3A_40] : memref<4x128x64xf32, #tpu.memory_space<vmem>> -> memref<1x128x64xf32, #tpu.memory_space<vmem>>
    %dma_start3A_42 = tpu.memref_squeeze %dma_start3A_41 : memref<1x128x64xf32, #tpu.memory_space<vmem>> -> memref<128x64xf32, #tpu.memory_space<vmem>>
    %dma_start3A_43 = arith.constant 0 : i32
    %dma_start3A_44 = tpu.memref_slice %arg8[%dma_start3A_37, %dma_start3A_43] : memref<4x128xi32, #tpu.memory_space<vmem>> -> memref<1x128xi32, #tpu.memory_space<vmem>>
    %dma_start3A_45 = tpu.memref_squeeze %dma_start3A_44 : memref<1x128xi32, #tpu.memory_space<vmem>> -> memref<128xi32, #tpu.memory_space<vmem>>
    %dma_start3A_46 = arith.constant 0 : i32
    %dma_start3A_47 = arith.constant 0 : i32
    %dma_start3A_48 = tpu.memref_slice %arg5[%dma_start3A_46, %dma_start3A_47] : memref<1000000x64xf32, #tpu.memory_space<hbm>> -> memref<1000000x64xf32, #tpu.memory_space<hbm>>
    tpu.enqueue_indirect_dma source(%dma_start3A_48 : memref<1000000x64xf32, #tpu.memory_space<hbm>>) target(%dma_start3A_42 : memref<128x64xf32, #tpu.memory_space<vmem>>) offsets(%dma_start3A_45 : memref<128xi32, #tpu.memory_space<vmem>>) semaphore(%arg12 : memref<!tpu.dma_semaphore, #tpu.memory_space<semaphore_mem>>)
    %dma_start3A_49 = arith.constant 1 : i32
    %dma_start3A_50 = arith.constant 1 : i32
    %dma_start3A_51 = arith.constant 0 : i32
    %dma_start3A_52 = arith.constant 0 : i32
    %dma_start3A_53 = tpu.memref_slice %arg9[%dma_start3A_50, %dma_start3A_51, %dma_start3A_52] : memref<4x128x64xf32, #tpu.memory_space<vmem>> -> memref<1x128x64xf32, #tpu.memory_space<vmem>>
    %dma_start3A_54 = tpu.memref_squeeze %dma_start3A_53 : memref<1x128x64xf32, #tpu.memory_space<vmem>> -> memref<128x64xf32, #tpu.memory_space<vmem>>
    %dma_start3A_55 = arith.constant 0 : i32
    %dma_start3A_56 = tpu.memref_slice %arg7[%dma_start3A_49, %dma_start3A_55] : memref<4x128xi32, #tpu.memory_space<vmem>> -> memref<1x128xi32, #tpu.memory_space<vmem>>
    %dma_start3A_57 = tpu.memref_squeeze %dma_start3A_56 : memref<1x128xi32, #tpu.memory_space<vmem>> -> memref<128xi32, #tpu.memory_space<vmem>>
    %dma_start3A_58 = arith.constant 0 : i32
    %dma_start3A_59 = arith.constant 0 : i32
    %dma_start3A_60 = tpu.memref_slice %arg4[%dma_start3A_58, %dma_start3A_59] : memref<1000000x64xf32, #tpu.memory_space<hbm>> -> memref<1000000x64xf32, #tpu.memory_space<hbm>>
    tpu.enqueue_indirect_dma source(%dma_start3A_60 : memref<1000000x64xf32, #tpu.memory_space<hbm>>) target(%dma_start3A_54 : memref<128x64xf32, #tpu.memory_space<vmem>>) offsets(%dma_start3A_57 : memref<128xi32, #tpu.memory_space<vmem>>) semaphore(%arg12 : memref<!tpu.dma_semaphore, #tpu.memory_space<semaphore_mem>>)
    %dma_start3A_61 = arith.constant 1 : i32
    %dma_start3A_62 = arith.constant 1 : i32
    %dma_start3A_63 = arith.constant 0 : i32
    %dma_start3A_64 = arith.constant 0 : i32
    %dma_start3A_65 = tpu.memref_slice %arg10[%dma_start3A_62, %dma_start3A_63, %dma_start3A_64] : memref<4x128x64xf32, #tpu.memory_space<vmem>> -> memref<1x128x64xf32, #tpu.memory_space<vmem>>
    %dma_start3A_66 = tpu.memref_squeeze %dma_start3A_65 : memref<1x128x64xf32, #tpu.memory_space<vmem>> -> memref<128x64xf32, #tpu.memory_space<vmem>>
    %dma_start3A_67 = arith.constant 0 : i32
    %dma_start3A_68 = tpu.memref_slice %arg8[%dma_start3A_61, %dma_start3A_67] : memref<4x128xi32, #tpu.memory_space<vmem>> -> memref<1x128xi32, #tpu.memory_space<vmem>>
    %dma_start3A_69 = tpu.memref_squeeze %dma_start3A_68 : memref<1x128xi32, #tpu.memory_space<vmem>> -> memref<128xi32, #tpu.memory_space<vmem>>
    %dma_start3A_70 = arith.constant 0 : i32
    %dma_start3A_71 = arith.constant 0 : i32
    %dma_start3A_72 = tpu.memref_slice %arg5[%dma_start3A_70, %dma_start3A_71] : memref<1000000x64xf32, #tpu.memory_space<hbm>> -> memref<1000000x64xf32, #tpu.memory_space<hbm>>
    tpu.enqueue_indirect_dma source(%dma_start3A_72 : memref<1000000x64xf32, #tpu.memory_space<hbm>>) target(%dma_start3A_66 : memref<128x64xf32, #tpu.memory_space<vmem>>) offsets(%dma_start3A_69 : memref<128xi32, #tpu.memory_space<vmem>>) semaphore(%arg12 : memref<!tpu.dma_semaphore, #tpu.memory_space<semaphore_mem>>)
    %dma_start3A_73 = arith.constant 2 : i32
    %dma_start3A_74 = arith.constant 2 : i32
    %dma_start3A_75 = arith.constant 0 : i32
    %dma_start3A_76 = arith.constant 0 : i32
    %dma_start3A_77 = tpu.memref_slice %arg9[%dma_start3A_74, %dma_start3A_75, %dma_start3A_76] : memref<4x128x64xf32, #tpu.memory_space<vmem>> -> memref<1x128x64xf32, #tpu.memory_space<vmem>>
    %dma_start3A_78 = tpu.memref_squeeze %dma_start3A_77 : memref<1x128x64xf32, #tpu.memory_space<vmem>> -> memref<128x64xf32, #tpu.memory_space<vmem>>
    %dma_start3A_79 = arith.constant 0 : i32
    %dma_start3A_80 = tpu.memref_slice %arg7[%dma_start3A_73, %dma_start3A_79] : memref<4x128xi32, #tpu.memory_space<vmem>> -> memref<1x128xi32, #tpu.memory_space<vmem>>
    %dma_start3A_81 = tpu.memref_squeeze %dma_start3A_80 : memref<1x128xi32, #tpu.memory_space<vmem>> -> memref<128xi32, #tpu.memory_space<vmem>>
    %dma_start3A_82 = arith.constant 0 : i32
    %dma_start3A_83 = arith.constant 0 : i32
    %dma_start3A_84 = tpu.memref_slice %arg4[%dma_start3A_82, %dma_start3A_83] : memref<1000000x64xf32, #tpu.memory_space<hbm>> -> memref<1000000x64xf32, #tpu.memory_space<hbm>>
    tpu.enqueue_indirect_dma source(%dma_start3A_84 : memref<1000000x64xf32, #tpu.memory_space<hbm>>) target(%dma_start3A_78 : memref<128x64xf32, #tpu.memory_space<vmem>>) offsets(%dma_start3A_81 : memref<128xi32, #tpu.memory_space<vmem>>) semaphore(%arg12 : memref<!tpu.dma_semaphore, #tpu.memory_space<semaphore_mem>>)
    %dma_start3A_85 = arith.constant 2 : i32
    %dma_start3A_86 = arith.constant 2 : i32
    %dma_start3A_87 = arith.constant 0 : i32
    %dma_start3A_88 = arith.constant 0 : i32
    %dma_start3A_89 = tpu.memref_slice %arg10[%dma_start3A_86, %dma_start3A_87, %dma_start3A_88] : memref<4x128x64xf32, #tpu.memory_space<vmem>> -> memref<1x128x64xf32, #tpu.memory_space<vmem>>
    %dma_start3A_90 = tpu.memref_squeeze %dma_start3A_89 : memref<1x128x64xf32, #tpu.memory_space<vmem>> -> memref<128x64xf32, #tpu.memory_space<vmem>>
    %dma_start3A_91 = arith.constant 0 : i32
    %dma_start3A_92 = tpu.memref_slice %arg8[%dma_start3A_85, %dma_start3A_91] : memref<4x128xi32, #tpu.memory_space<vmem>> -> memref<1x128xi32, #tpu.memory_space<vmem>>
    %dma_start3A_93 = tpu.memref_squeeze %dma_start3A_92 : memref<1x128xi32, #tpu.memory_space<vmem>> -> memref<128xi32, #tpu.memory_space<vmem>>
    %dma_start3A_94 = arith.constant 0 : i32
    %dma_start3A_95 = arith.constant 0 : i32
    %dma_start3A_96 = tpu.memref_slice %arg5[%dma_start3A_94, %dma_start3A_95] : memref<1000000x64xf32, #tpu.memory_space<hbm>> -> memref<1000000x64xf32, #tpu.memory_space<hbm>>
    tpu.enqueue_indirect_dma source(%dma_start3A_96 : memref<1000000x64xf32, #tpu.memory_space<hbm>>) target(%dma_start3A_90 : memref<128x64xf32, #tpu.memory_space<vmem>>) offsets(%dma_start3A_93 : memref<128xi32, #tpu.memory_space<vmem>>) semaphore(%arg12 : memref<!tpu.dma_semaphore, #tpu.memory_space<semaphore_mem>>)
    %dma_start3A_97 = arith.constant 3 : i32
    %dma_start3A_98 = arith.constant 3 : i32
    %dma_start3A_99 = arith.constant 0 : i32
    %dma_start3A_100 = arith.constant 0 : i32
    %dma_start3A_101 = tpu.memref_slice %arg9[%dma_start3A_98, %dma_start3A_99, %dma_start3A_100] : memref<4x128x64xf32, #tpu.memory_space<vmem>> -> memref<1x128x64xf32, #tpu.memory_space<vmem>>
    %dma_start3A_102 = tpu.memref_squeeze %dma_start3A_101 : memref<1x128x64xf32, #tpu.memory_space<vmem>> -> memref<128x64xf32, #tpu.memory_space<vmem>>
    %dma_start3A_103 = arith.constant 0 : i32
    %dma_start3A_104 = tpu.memref_slice %arg7[%dma_start3A_97, %dma_start3A_103] : memref<4x128xi32, #tpu.memory_space<vmem>> -> memref<1x128xi32, #tpu.memory_space<vmem>>
    %dma_start3A_105 = tpu.memref_squeeze %dma_start3A_104 : memref<1x128xi32, #tpu.memory_space<vmem>> -> memref<128xi32, #tpu.memory_space<vmem>>
    %dma_start3A_106 = arith.constant 0 : i32
    %dma_start3A_107 = arith.constant 0 : i32
    %dma_start3A_108 = tpu.memref_slice %arg4[%dma_start3A_106, %dma_start3A_107] : memref<1000000x64xf32, #tpu.memory_space<hbm>> -> memref<1000000x64xf32, #tpu.memory_space<hbm>>
    tpu.enqueue_indirect_dma source(%dma_start3A_108 : memref<1000000x64xf32, #tpu.memory_space<hbm>>) target(%dma_start3A_102 : memref<128x64xf32, #tpu.memory_space<vmem>>) offsets(%dma_start3A_105 : memref<128xi32, #tpu.memory_space<vmem>>) semaphore(%arg12 : memref<!tpu.dma_semaphore, #tpu.memory_space<semaphore_mem>>)
    %dma_start3A_109 = arith.constant 3 : i32
    %dma_start3A_110 = arith.constant 3 : i32
    %dma_start3A_111 = arith.constant 0 : i32
    %dma_start3A_112 = arith.constant 0 : i32
    %dma_start3A_113 = tpu.memref_slice %arg10[%dma_start3A_110, %dma_start3A_111, %dma_start3A_112] : memref<4x128x64xf32, #tpu.memory_space<vmem>> -> memref<1x128x64xf32, #tpu.memory_space<vmem>>
    %dma_start3A_114 = tpu.memref_squeeze %dma_start3A_113 : memref<1x128x64xf32, #tpu.memory_space<vmem>> -> memref<128x64xf32, #tpu.memory_space<vmem>>
    %dma_start3A_115 = arith.constant 0 : i32
    %dma_start3A_116 = tpu.memref_slice %arg8[%dma_start3A_109, %dma_start3A_115] : memref<4x128xi32, #tpu.memory_space<vmem>> -> memref<1x128xi32, #tpu.memory_space<vmem>>
    %dma_start3A_117 = tpu.memref_squeeze %dma_start3A_116 : memref<1x128xi32, #tpu.memory_space<vmem>> -> memref<128xi32, #tpu.memory_space<vmem>>
    %dma_start3A_118 = arith.constant 0 : i32
    %dma_start3A_119 = arith.constant 0 : i32
    %dma_start3A_120 = tpu.memref_slice %arg5[%dma_start3A_118, %dma_start3A_119] : memref<1000000x64xf32, #tpu.memory_space<hbm>> -> memref<1000000x64xf32, #tpu.memory_space<hbm>>
    tpu.enqueue_indirect_dma source(%dma_start3A_120 : memref<1000000x64xf32, #tpu.memory_space<hbm>>) target(%dma_start3A_114 : memref<128x64xf32, #tpu.memory_space<vmem>>) offsets(%dma_start3A_117 : memref<128xi32, #tpu.memory_space<vmem>>) semaphore(%arg12 : memref<!tpu.dma_semaphore, #tpu.memory_space<semaphore_mem>>)
    %dma_wait3A = arith.constant 0 : i32
    %dma_wait3A_121 = arith.constant 0 : i32
    %dma_wait3A_122 = arith.constant 0 : i32
    %dma_wait3A_123 = arith.constant 0 : i32
    %dma_wait3A_124 = tpu.memref_slice %arg9[%dma_wait3A_121, %dma_wait3A_122, %dma_wait3A_123] : memref<4x128x64xf32, #tpu.memory_space<vmem>> -> memref<1x128x64xf32, #tpu.memory_space<vmem>>
    %dma_wait3A_125 = tpu.memref_squeeze %dma_wait3A_124 : memref<1x128x64xf32, #tpu.memory_space<vmem>> -> memref<128x64xf32, #tpu.memory_space<vmem>>
    %dma_wait3A_126 = arith.constant 0 : i32
    %dma_wait3A_127 = tpu.memref_slice %arg7[%dma_wait3A, %dma_wait3A_126] : memref<4x128xi32, #tpu.memory_space<vmem>> -> memref<1x128xi32, #tpu.memory_space<vmem>>
    %dma_wait3A_128 = tpu.memref_squeeze %dma_wait3A_127 : memref<1x128xi32, #tpu.memory_space<vmem>> -> memref<128xi32, #tpu.memory_space<vmem>>
    %dma_wait3A_129 = arith.constant 0 : i32
    %dma_wait3A_130 = arith.constant 0 : i32
    %dma_wait3A_131 = tpu.memref_slice %arg4[%dma_wait3A_129, %dma_wait3A_130] : memref<1000000x64xf32, #tpu.memory_space<hbm>> -> memref<1000000x64xf32, #tpu.memory_space<hbm>>
    tpu.wait_indirect_dma semaphore(%arg12 : memref<!tpu.dma_semaphore, #tpu.memory_space<semaphore_mem>>) src(%dma_wait3A_131 : memref<1000000x64xf32, #tpu.memory_space<hbm>>) dst(%dma_wait3A_125 : memref<128x64xf32, #tpu.memory_space<vmem>>)
    %dma_wait3A_132 = arith.constant 0 : i32
    %dma_wait3A_133 = arith.constant 0 : i32
    %dma_wait3A_134 = arith.constant 0 : i32
    %dma_wait3A_135 = arith.constant 0 : i32
    %dma_wait3A_136 = tpu.memref_slice %arg10[%dma_wait3A_133, %dma_wait3A_134, %dma_wait3A_135] : memref<4x128x64xf32, #tpu.memory_space<vmem>> -> memref<1x128x64xf32, #tpu.memory_space<vmem>>
    %dma_wait3A_137 = tpu.memref_squeeze %dma_wait3A_136 : memref<1x128x64xf32, #tpu.memory_space<vmem>> -> memref<128x64xf32, #tpu.memory_space<vmem>>
    %dma_wait3A_138 = arith.constant 0 : i32
    %dma_wait3A_139 = tpu.memref_slice %arg8[%dma_wait3A_132, %dma_wait3A_138] : memref<4x128xi32, #tpu.memory_space<vmem>> -> memref<1x128xi32, #tpu.memory_space<vmem>>
    %dma_wait3A_140 = tpu.memref_squeeze %dma_wait3A_139 : memref<1x128xi32, #tpu.memory_space<vmem>> -> memref<128xi32, #tpu.memory_space<vmem>>
    %dma_wait3A_141 = arith.constant 0 : i32
    %dma_wait3A_142 = arith.constant 0 : i32
    %dma_wait3A_143 = tpu.memref_slice %arg5[%dma_wait3A_141, %dma_wait3A_142] : memref<1000000x64xf32, #tpu.memory_space<hbm>> -> memref<1000000x64xf32, #tpu.memory_space<hbm>>
    tpu.wait_indirect_dma semaphore(%arg12 : memref<!tpu.dma_semaphore, #tpu.memory_space<semaphore_mem>>) src(%dma_wait3A_143 : memref<1000000x64xf32, #tpu.memory_space<hbm>>) dst(%dma_wait3A_137 : memref<128x64xf32, #tpu.memory_space<vmem>>)
    %dma_wait3A_144 = arith.constant 1 : i32
    %dma_wait3A_145 = arith.constant 1 : i32
    %dma_wait3A_146 = arith.constant 0 : i32
    %dma_wait3A_147 = arith.constant 0 : i32
    %dma_wait3A_148 = tpu.memref_slice %arg9[%dma_wait3A_145, %dma_wait3A_146, %dma_wait3A_147] : memref<4x128x64xf32, #tpu.memory_space<vmem>> -> memref<1x128x64xf32, #tpu.memory_space<vmem>>
    %dma_wait3A_149 = tpu.memref_squeeze %dma_wait3A_148 : memref<1x128x64xf32, #tpu.memory_space<vmem>> -> memref<128x64xf32, #tpu.memory_space<vmem>>
    %dma_wait3A_150 = arith.constant 0 : i32
    %dma_wait3A_151 = tpu.memref_slice %arg7[%dma_wait3A_144, %dma_wait3A_150] : memref<4x128xi32, #tpu.memory_space<vmem>> -> memref<1x128xi32, #tpu.memory_space<vmem>>
    %dma_wait3A_152 = tpu.memref_squeeze %dma_wait3A_151 : memref<1x128xi32, #tpu.memory_space<vmem>> -> memref<128xi32, #tpu.memory_space<vmem>>
    %dma_wait3A_153 = arith.constant 0 : i32
    %dma_wait3A_154 = arith.constant 0 : i32
    %dma_wait3A_155 = tpu.memref_slice %arg4[%dma_wait3A_153, %dma_wait3A_154] : memref<1000000x64xf32, #tpu.memory_space<hbm>> -> memref<1000000x64xf32, #tpu.memory_space<hbm>>
    tpu.wait_indirect_dma semaphore(%arg12 : memref<!tpu.dma_semaphore, #tpu.memory_space<semaphore_mem>>) src(%dma_wait3A_155 : memref<1000000x64xf32, #tpu.memory_space<hbm>>) dst(%dma_wait3A_149 : memref<128x64xf32, #tpu.memory_space<vmem>>)
    %dma_wait3A_156 = arith.constant 1 : i32
    %dma_wait3A_157 = arith.constant 1 : i32
    %dma_wait3A_158 = arith.constant 0 : i32
    %dma_wait3A_159 = arith.constant 0 : i32
    %dma_wait3A_160 = tpu.memref_slice %arg10[%dma_wait3A_157, %dma_wait3A_158, %dma_wait3A_159] : memref<4x128x64xf32, #tpu.memory_space<vmem>> -> memref<1x128x64xf32, #tpu.memory_space<vmem>>
    %dma_wait3A_161 = tpu.memref_squeeze %dma_wait3A_160 : memref<1x128x64xf32, #tpu.memory_space<vmem>> -> memref<128x64xf32, #tpu.memory_space<vmem>>
    %dma_wait3A_162 = arith.constant 0 : i32
    %dma_wait3A_163 = tpu.memref_slice %arg8[%dma_wait3A_156, %dma_wait3A_162] : memref<4x128xi32, #tpu.memory_space<vmem>> -> memref<1x128xi32, #tpu.memory_space<vmem>>
    %dma_wait3A_164 = tpu.memref_squeeze %dma_wait3A_163 : memref<1x128xi32, #tpu.memory_space<vmem>> -> memref<128xi32, #tpu.memory_space<vmem>>
    %dma_wait3A_165 = arith.constant 0 : i32
    %dma_wait3A_166 = arith.constant 0 : i32
    %dma_wait3A_167 = tpu.memref_slice %arg5[%dma_wait3A_165, %dma_wait3A_166] : memref<1000000x64xf32, #tpu.memory_space<hbm>> -> memref<1000000x64xf32, #tpu.memory_space<hbm>>
    tpu.wait_indirect_dma semaphore(%arg12 : memref<!tpu.dma_semaphore, #tpu.memory_space<semaphore_mem>>) src(%dma_wait3A_167 : memref<1000000x64xf32, #tpu.memory_space<hbm>>) dst(%dma_wait3A_161 : memref<128x64xf32, #tpu.memory_space<vmem>>)
    %dma_wait3A_168 = arith.constant 2 : i32
    %dma_wait3A_169 = arith.constant 2 : i32
    %dma_wait3A_170 = arith.constant 0 : i32
    %dma_wait3A_171 = arith.constant 0 : i32
    %dma_wait3A_172 = tpu.memref_slice %arg9[%dma_wait3A_169, %dma_wait3A_170, %dma_wait3A_171] : memref<4x128x64xf32, #tpu.memory_space<vmem>> -> memref<1x128x64xf32, #tpu.memory_space<vmem>>
    %dma_wait3A_173 = tpu.memref_squeeze %dma_wait3A_172 : memref<1x128x64xf32, #tpu.memory_space<vmem>> -> memref<128x64xf32, #tpu.memory_space<vmem>>
    %dma_wait3A_174 = arith.constant 0 : i32
    %dma_wait3A_175 = tpu.memref_slice %arg7[%dma_wait3A_168, %dma_wait3A_174] : memref<4x128xi32, #tpu.memory_space<vmem>> -> memref<1x128xi32, #tpu.memory_space<vmem>>
    %dma_wait3A_176 = tpu.memref_squeeze %dma_wait3A_175 : memref<1x128xi32, #tpu.memory_space<vmem>> -> memref<128xi32, #tpu.memory_space<vmem>>
    %dma_wait3A_177 = arith.constant 0 : i32
    %dma_wait3A_178 = arith.constant 0 : i32
    %dma_wait3A_179 = tpu.memref_slice %arg4[%dma_wait3A_177, %dma_wait3A_178] : memref<1000000x64xf32, #tpu.memory_space<hbm>> -> memref<1000000x64xf32, #tpu.memory_space<hbm>>
    tpu.wait_indirect_dma semaphore(%arg12 : memref<!tpu.dma_semaphore, #tpu.memory_space<semaphore_mem>>) src(%dma_wait3A_179 : memref<1000000x64xf32, #tpu.memory_space<hbm>>) dst(%dma_wait3A_173 : memref<128x64xf32, #tpu.memory_space<vmem>>)
    %dma_wait3A_180 = arith.constant 2 : i32
    %dma_wait3A_181 = arith.constant 2 : i32
    %dma_wait3A_182 = arith.constant 0 : i32
    %dma_wait3A_183 = arith.constant 0 : i32
    %dma_wait3A_184 = tpu.memref_slice %arg10[%dma_wait3A_181, %dma_wait3A_182, %dma_wait3A_183] : memref<4x128x64xf32, #tpu.memory_space<vmem>> -> memref<1x128x64xf32, #tpu.memory_space<vmem>>
    %dma_wait3A_185 = tpu.memref_squeeze %dma_wait3A_184 : memref<1x128x64xf32, #tpu.memory_space<vmem>> -> memref<128x64xf32, #tpu.memory_space<vmem>>
    %dma_wait3A_186 = arith.constant 0 : i32
    %dma_wait3A_187 = tpu.memref_slice %arg8[%dma_wait3A_180, %dma_wait3A_186] : memref<4x128xi32, #tpu.memory_space<vmem>> -> memref<1x128xi32, #tpu.memory_space<vmem>>
    %dma_wait3A_188 = tpu.memref_squeeze %dma_wait3A_187 : memref<1x128xi32, #tpu.memory_space<vmem>> -> memref<128xi32, #tpu.memory_space<vmem>>
    %dma_wait3A_189 = arith.constant 0 : i32
    %dma_wait3A_190 = arith.constant 0 : i32
    %dma_wait3A_191 = tpu.memref_slice %arg5[%dma_wait3A_189, %dma_wait3A_190] : memref<1000000x64xf32, #tpu.memory_space<hbm>> -> memref<1000000x64xf32, #tpu.memory_space<hbm>>
    tpu.wait_indirect_dma semaphore(%arg12 : memref<!tpu.dma_semaphore, #tpu.memory_space<semaphore_mem>>) src(%dma_wait3A_191 : memref<1000000x64xf32, #tpu.memory_space<hbm>>) dst(%dma_wait3A_185 : memref<128x64xf32, #tpu.memory_space<vmem>>)
    %dma_wait3A_192 = arith.constant 3 : i32
    %dma_wait3A_193 = arith.constant 3 : i32
    %dma_wait3A_194 = arith.constant 0 : i32
    %dma_wait3A_195 = arith.constant 0 : i32
    %dma_wait3A_196 = tpu.memref_slice %arg9[%dma_wait3A_193, %dma_wait3A_194, %dma_wait3A_195] : memref<4x128x64xf32, #tpu.memory_space<vmem>> -> memref<1x128x64xf32, #tpu.memory_space<vmem>>
    %dma_wait3A_197 = tpu.memref_squeeze %dma_wait3A_196 : memref<1x128x64xf32, #tpu.memory_space<vmem>> -> memref<128x64xf32, #tpu.memory_space<vmem>>
    %dma_wait3A_198 = arith.constant 0 : i32
    %dma_wait3A_199 = tpu.memref_slice %arg7[%dma_wait3A_192, %dma_wait3A_198] : memref<4x128xi32, #tpu.memory_space<vmem>> -> memref<1x128xi32, #tpu.memory_space<vmem>>
    %dma_wait3A_200 = tpu.memref_squeeze %dma_wait3A_199 : memref<1x128xi32, #tpu.memory_space<vmem>> -> memref<128xi32, #tpu.memory_space<vmem>>
    %dma_wait3A_201 = arith.constant 0 : i32
    %dma_wait3A_202 = arith.constant 0 : i32
    %dma_wait3A_203 = tpu.memref_slice %arg4[%dma_wait3A_201, %dma_wait3A_202] : memref<1000000x64xf32, #tpu.memory_space<hbm>> -> memref<1000000x64xf32, #tpu.memory_space<hbm>>
    tpu.wait_indirect_dma semaphore(%arg12 : memref<!tpu.dma_semaphore, #tpu.memory_space<semaphore_mem>>) src(%dma_wait3A_203 : memref<1000000x64xf32, #tpu.memory_space<hbm>>) dst(%dma_wait3A_197 : memref<128x64xf32, #tpu.memory_space<vmem>>)
    %dma_wait3A_204 = arith.constant 3 : i32
    %dma_wait3A_205 = arith.constant 3 : i32
    %dma_wait3A_206 = arith.constant 0 : i32
    %dma_wait3A_207 = arith.constant 0 : i32
    %dma_wait3A_208 = tpu.memref_slice %arg10[%dma_wait3A_205, %dma_wait3A_206, %dma_wait3A_207] : memref<4x128x64xf32, #tpu.memory_space<vmem>> -> memref<1x128x64xf32, #tpu.memory_space<vmem>>
    %dma_wait3A_209 = tpu.memref_squeeze %dma_wait3A_208 : memref<1x128x64xf32, #tpu.memory_space<vmem>> -> memref<128x64xf32, #tpu.memory_space<vmem>>
    %dma_wait3A_210 = arith.constant 0 : i32
    %dma_wait3A_211 = tpu.memref_slice %arg8[%dma_wait3A_204, %dma_wait3A_210] : memref<4x128xi32, #tpu.memory_space<vmem>> -> memref<1x128xi32, #tpu.memory_space<vmem>>
    %dma_wait3A_212 = tpu.memref_squeeze %dma_wait3A_211 : memref<1x128xi32, #tpu.memory_space<vmem>> -> memref<128xi32, #tpu.memory_space<vmem>>
    %dma_wait3A_213 = arith.constant 0 : i32
    %dma_wait3A_214 = arith.constant 0 : i32
    %dma_wait3A_215 = tpu.memref_slice %arg5[%dma_wait3A_213, %dma_wait3A_214] : memref<1000000x64xf32, #tpu.memory_space<hbm>> -> memref<1000000x64xf32, #tpu.memory_space<hbm>>
    tpu.wait_indirect_dma semaphore(%arg12 : memref<!tpu.dma_semaphore, #tpu.memory_space<semaphore_mem>>) src(%dma_wait3A_215 : memref<1000000x64xf32, #tpu.memory_space<hbm>>) dst(%dma_wait3A_209 : memref<128x64xf32, #tpu.memory_space<vmem>>)
    %iota3A = tpu.iota {dimensions = array<i32: 0>} : vector<16xi32>
    %scan3A = arith.constant 0 : i32
    %scan3A_216 = arith.constant 0 : i32
    %scan3A_217 = arith.constant 32 : i32
    %scan3A_218 = arith.addi %scan3A_216, %scan3A_217 : i32
    %scan3A_219 = arith.constant 1 : i32
    scf.for %scan3A_221 = %scan3A_216 to %scan3A_218 step %scan3A_219  : i32 {
      %jit3A = arith.constant 8 : i32
      %div3A = arith.divsi %scan3A_221, %jit3A : i32
      %sign3A = arith.constant 0 : i32
      %sign3A_222 = arith.cmpi sgt, %scan3A_221, %sign3A : i32
      %sign3A_223 = arith.extui %sign3A_222 : i1 to i32
      %sign3A_224 = arith.constant 0 : i32
      %sign3A_225 = arith.cmpi slt, %scan3A_221, %sign3A_224 : i32
      %sign3A_226 = arith.extui %sign3A_225 : i1 to i32
      %sign3A_227 = arith.subi %sign3A_223, %sign3A_226 : i32
      %sign3A_228 = arith.constant 0 : i32
      %sign3A_229 = arith.cmpi sgt, %jit3A, %sign3A_228 : i32
      %sign3A_230 = arith.extui %sign3A_229 : i1 to i32
      %sign3A_231 = arith.constant 0 : i32
      %sign3A_232 = arith.cmpi slt, %jit3A, %sign3A_231 : i32
      %sign3A_233 = arith.extui %sign3A_232 : i1 to i32
      %sign3A_234 = arith.subi %sign3A_230, %sign3A_233 : i32
      %ne3A = arith.cmpi ne, %sign3A_227, %sign3A_234 : i32
      %rem3A = arith.remsi %scan3A_221, %jit3A : i32
      %ne3A_235 = arith.constant 0 : i32
      %ne3A_236 = arith.cmpi ne, %rem3A, %ne3A_235 : i32
      %and3A = arith.andi %ne3A, %ne3A_236 : i1
      %sub3A = arith.constant 1 : i32
      %sub3A_237 = arith.subi %div3A, %sub3A : i32
      %select_n3A = arith.select %and3A, %sub3A_237, %div3A : i32
      %jit3A_238 = arith.constant 8 : i32
      %eq3A = arith.constant 0 : i32
      %eq3A_239 = arith.cmpi eq, %jit3A_238, %eq3A : i32
      %jit3A_240 = arith.constant 1 : i32
      %select_n3A_241 = arith.select %eq3A_239, %jit3A_240, %jit3A_238 : i32
      %rem3A_242 = arith.remsi %scan3A_221, %select_n3A_241 : i32
      %ne3A_243 = arith.constant 0 : i32
      %ne3A_244 = arith.cmpi ne, %rem3A_242, %ne3A_243 : i32
      %lt3A = arith.constant 0 : i32
      %lt3A_245 = arith.cmpi slt, %rem3A_242, %lt3A : i32
      %lt3A_246 = arith.constant 0 : i32
      %lt3A_247 = arith.cmpi slt, %select_n3A_241, %lt3A_246 : i32
      %ne3A_248 = arith.xori %lt3A_245, %lt3A_247 : i1
      %and3A_249 = arith.andi %ne3A_248, %ne3A_244 : i1
      %add3A_250 = arith.addi %rem3A_242, %select_n3A_241 : i32
      %select_n3A_251 = arith.select %and3A_249, %add3A_250, %rem3A_242 : i32
      %mul3A_252 = arith.constant 16 : i32
      %mul3A_253 = arith.muli %select_n3A_251, %mul3A_252 : i32
      %broadcast_in_dim3A = arith.constant 0.000000e+00 : f32
      %broadcast_in_dim3A_254 = vector.broadcast %broadcast_in_dim3A : f32 to vector<16xf32>
      %add3A_255 = arith.constant 0 : i32
      %add3A_256 = arith.addi %mul3A_253, %add3A_255 : i32
      %get3A = arith.index_cast %select_n3A : i32 to index
      %get3A_257 = arith.index_cast %add3A_256 : i32 to index
      %get3A_258 = arith.constant 0 : index
      %get3A_259 = tpu.vector_load %arg9[%get3A, %get3A_257, %get3A_258] {strides = array<i32>} : memref<4x128x64xf32, #tpu.memory_space<vmem>>, vector<16xf32>,
      %get3A_260 = arith.index_cast %select_n3A : i32 to index
      %get3A_261 = arith.index_cast %add3A_256 : i32 to index
      %get3A_262 = arith.constant 0 : index
      %get3A_263 = tpu.vector_load %arg10[%get3A_260, %get3A_261, %get3A_262] {strides = array<i32>} : memref<4x128x64xf32, #tpu.memory_space<vmem>>, vector<16xf32>,
      %mul3A_264 = arith.mulf %get3A_259, %get3A_263 : vector<16xf32>
      %get3A_265 = arith.index_cast %select_n3A : i32 to index
      %get3A_266 = arith.index_cast %add3A_256 : i32 to index
      %get3A_267 = arith.constant 16 : index
      %get3A_268 = tpu.vector_load %arg9[%get3A_265, %get3A_266, %get3A_267] {strides = array<i32>} : memref<4x128x64xf32, #tpu.memory_space<vmem>>, vector<16xf32>,
      %get3A_269 = arith.index_cast %select_n3A : i32 to index
      %get3A_270 = arith.index_cast %add3A_256 : i32 to index
      %get3A_271 = arith.constant 16 : index
      %get3A_272 = tpu.vector_load %arg10[%get3A_269, %get3A_270, %get3A_271] {strides = array<i32>} : memref<4x128x64xf32, #tpu.memory_space<vmem>>, vector<16xf32>,
      %mul3A_273 = arith.mulf %get3A_268, %get3A_272 : vector<16xf32>
      %add3A_274 = arith.addf %mul3A_264, %mul3A_273 : vector<16xf32>
      %get3A_275 = arith.index_cast %select_n3A : i32 to index
      %get3A_276 = arith.index_cast %add3A_256 : i32 to index
      %get3A_277 = arith.constant 32 : index
      %get3A_278 = tpu.vector_load %arg9[%get3A_275, %get3A_276, %get3A_277] {strides = array<i32>} : memref<4x128x64xf32, #tpu.memory_space<vmem>>, vector<16xf32>,
      %get3A_279 = arith.index_cast %select_n3A : i32 to index
      %get3A_280 = arith.index_cast %add3A_256 : i32 to index
      %get3A_281 = arith.constant 32 : index
      %get3A_282 = tpu.vector_load %arg10[%get3A_279, %get3A_280, %get3A_281] {strides = array<i32>} : memref<4x128x64xf32, #tpu.memory_space<vmem>>, vector<16xf32>,
      %mul3A_283 = arith.mulf %get3A_278, %get3A_282 : vector<16xf32>
      %add3A_284 = arith.addf %add3A_274, %mul3A_283 : vector<16xf32>
      %get3A_285 = arith.index_cast %select_n3A : i32 to index
      %get3A_286 = arith.index_cast %add3A_256 : i32 to index
      %get3A_287 = arith.constant 48 : index
      %get3A_288 = tpu.vector_load %arg9[%get3A_285, %get3A_286, %get3A_287] {strides = array<i32>} : memref<4x128x64xf32, #tpu.memory_space<vmem>>, vector<16xf32>,
      %get3A_289 = arith.index_cast %select_n3A : i32 to index
      %get3A_290 = arith.index_cast %add3A_256 : i32 to index
      %get3A_291 = arith.constant 48 : index
      %get3A_292 = tpu.vector_load %arg10[%get3A_289, %get3A_290, %get3A_291] {strides = array<i32>} : memref<4x128x64xf32, #tpu.memory_space<vmem>>, vector<16xf32>,
      %mul3A_293 = arith.mulf %get3A_288, %get3A_292 : vector<16xf32>
      %add3A_294 = arith.addf %add3A_284, %mul3A_293 : vector<16xf32>
      %eq3A_295 = arith.constant 0 : i32
      %eq3A_296 = vector.broadcast %eq3A_295 : i32 to vector<16xi32>
      %eq3A_297 = arith.cmpi eq, %iota3A, %eq3A_296 : vector<16xi32>
      %reduce_sum3A = arith.constant true
      %reduce_sum3A_298 = vector.broadcast %reduce_sum3A : i1 to vector<16xi1>
      %reduce_sum3A_299 = tpu.scan <sum>, %add3A_294 masked %reduce_sum3A_298 : vector<16xf32>, vector<16xi1> -> vector<16xf32>
      %reduce_sum3A_300 = vector.extract %reduce_sum3A_299[15] : f32 from vector<16xf32>
      %broadcast_in_dim3A_301 = vector.broadcast %reduce_sum3A_300 : f32 to vector<16xf32>
      %select_n3A_302 = arith.select %eq3A_297, %broadcast_in_dim3A_301, %broadcast_in_dim3A_254 : vector<16xi1>, vector<16xf32>
      %add3A_303 = arith.constant 1 : i32
      %add3A_304 = arith.addi %mul3A_253, %add3A_303 : i32
      %get3A_305 = arith.index_cast %select_n3A : i32 to index
      %get3A_306 = arith.index_cast %add3A_304 : i32 to index
      %get3A_307 = arith.constant 0 : index
      %get3A_308 = tpu.vector_load %arg9[%get3A_305, %get3A_306, %get3A_307] {strides = array<i32>} : memref<4x128x64xf32, #tpu.memory_space<vmem>>, vector<16xf32>,
      %get3A_309 = arith.index_cast %select_n3A : i32 to index
      %get3A_310 = arith.index_cast %add3A_304 : i32 to index
      %get3A_311 = arith.constant 0 : index
      %get3A_312 = tpu.vector_load %arg10[%get3A_309, %get3A_310, %get3A_311] {strides = array<i32>} : memref<4x128x64xf32, #tpu.memory_space<vmem>>, vector<16xf32>,
      %mul3A_313 = arith.mulf %get3A_308, %get3A_312 : vector<16xf32>
      %get3A_314 = arith.index_cast %select_n3A : i32 to index
      %get3A_315 = arith.index_cast %add3A_304 : i32 to index
      %get3A_316 = arith.constant 16 : index
      %get3A_317 = tpu.vector_load %arg9[%get3A_314, %get3A_315, %get3A_316] {strides = array<i32>} : memref<4x128x64xf32, #tpu.memory_space<vmem>>, vector<16xf32>,
      %get3A_318 = arith.index_cast %select_n3A : i32 to index
      %get3A_319 = arith.index_cast %add3A_304 : i32 to index
      %get3A_320 = arith.constant 16 : index
      %get3A_321 = tpu.vector_load %arg10[%get3A_318, %get3A_319, %get3A_320] {strides = array<i32>} : memref<4x128x64xf32, #tpu.memory_space<vmem>>, vector<16xf32>,
      %mul3A_322 = arith.mulf %get3A_317, %get3A_321 : vector<16xf32>
      %add3A_323 = arith.addf %mul3A_313, %mul3A_322 : vector<16xf32>
      %get3A_324 = arith.index_cast %select_n3A : i32 to index
      %get3A_325 = arith.index_cast %add3A_304 : i32 to index
      %get3A_326 = arith.constant 32 : index
      %get3A_327 = tpu.vector_load %arg9[%get3A_324, %get3A_325, %get3A_326] {strides = array<i32>} : memref<4x128x64xf32, #tpu.memory_space<vmem>>, vector<16xf32>,
      %get3A_328 = arith.index_cast %select_n3A : i32 to index
      %get3A_329 = arith.index_cast %add3A_304 : i32 to index
      %get3A_330 = arith.constant 32 : index
      %get3A_331 = tpu.vector_load %arg10[%get3A_328, %get3A_329, %get3A_330] {strides = array<i32>} : memref<4x128x64xf32, #tpu.memory_space<vmem>>, vector<16xf32>,
      %mul3A_332 = arith.mulf %get3A_327, %get3A_331 : vector<16xf32>
      %add3A_333 = arith.addf %add3A_323, %mul3A_332 : vector<16xf32>
      %get3A_334 = arith.index_cast %select_n3A : i32 to index
      %get3A_335 = arith.index_cast %add3A_304 : i32 to index
      %get3A_336 = arith.constant 48 : index
      %get3A_337 = tpu.vector_load %arg9[%get3A_334, %get3A_335, %get3A_336] {strides = array<i32>} : memref<4x128x64xf32, #tpu.memory_space<vmem>>, vector<16xf32>,
      %get3A_338 = arith.index_cast %select_n3A : i32 to index
      %get3A_339 = arith.index_cast %add3A_304 : i32 to index
      %get3A_340 = arith.constant 48 : index
      %get3A_341 = tpu.vector_load %arg10[%get3A_338, %get3A_339, %get3A_340] {strides = array<i32>} : memref<4x128x64xf32, #tpu.memory_space<vmem>>, vector<16xf32>,
      %mul3A_342 = arith.mulf %get3A_337, %get3A_341 : vector<16xf32>
      %add3A_343 = arith.addf %add3A_333, %mul3A_342 : vector<16xf32>
      %eq3A_344 = arith.constant 1 : i32
      %eq3A_345 = vector.broadcast %eq3A_344 : i32 to vector<16xi32>
      %eq3A_346 = arith.cmpi eq, %iota3A, %eq3A_345 : vector<16xi32>
      %reduce_sum3A_347 = arith.constant true
      %reduce_sum3A_348 = vector.broadcast %reduce_sum3A_347 : i1 to vector<16xi1>
      %reduce_sum3A_349 = tpu.scan <sum>, %add3A_343 masked %reduce_sum3A_348 : vector<16xf32>, vector<16xi1> -> vector<16xf32>
      %reduce_sum3A_350 = vector.extract %reduce_sum3A_349[15] : f32 from vector<16xf32>
      %broadcast_in_dim3A_351 = vector.broadcast %reduce_sum3A_350 : f32 to vector<16xf32>
      %select_n3A_352 = arith.select %eq3A_346, %broadcast_in_dim3A_351, %select_n3A_302 : vector<16xi1>, vector<16xf32>
      %add3A_353 = arith.constant 2 : i32
      %add3A_354 = arith.addi %mul3A_253, %add3A_353 : i32
      %get3A_355 = arith.index_cast %select_n3A : i32 to index
      %get3A_356 = arith.index_cast %add3A_354 : i32 to index
      %get3A_357 = arith.constant 0 : index
      %get3A_358 = tpu.vector_load %arg9[%get3A_355, %get3A_356, %get3A_357] {strides = array<i32>} : memref<4x128x64xf32, #tpu.memory_space<vmem>>, vector<16xf32>,
      %get3A_359 = arith.index_cast %select_n3A : i32 to index
      %get3A_360 = arith.index_cast %add3A_354 : i32 to index
      %get3A_361 = arith.constant 0 : index
      %get3A_362 = tpu.vector_load %arg10[%get3A_359, %get3A_360, %get3A_361] {strides = array<i32>} : memref<4x128x64xf32, #tpu.memory_space<vmem>>, vector<16xf32>,
      %mul3A_363 = arith.mulf %get3A_358, %get3A_362 : vector<16xf32>
      %get3A_364 = arith.index_cast %select_n3A : i32 to index
      %get3A_365 = arith.index_cast %add3A_354 : i32 to index
      %get3A_366 = arith.constant 16 : index
      %get3A_367 = tpu.vector_load %arg9[%get3A_364, %get3A_365, %get3A_366] {strides = array<i32>} : memref<4x128x64xf32, #tpu.memory_space<vmem>>, vector<16xf32>,
      %get3A_368 = arith.index_cast %select_n3A : i32 to index
      %get3A_369 = arith.index_cast %add3A_354 : i32 to index
      %get3A_370 = arith.constant 16 : index
      %get3A_371 = tpu.vector_load %arg10[%get3A_368, %get3A_369, %get3A_370] {strides = array<i32>} : memref<4x128x64xf32, #tpu.memory_space<vmem>>, vector<16xf32>,
      %mul3A_372 = arith.mulf %get3A_367, %get3A_371 : vector<16xf32>
      %add3A_373 = arith.addf %mul3A_363, %mul3A_372 : vector<16xf32>
      %get3A_374 = arith.index_cast %select_n3A : i32 to index
      %get3A_375 = arith.index_cast %add3A_354 : i32 to index
      %get3A_376 = arith.constant 32 : index
      %get3A_377 = tpu.vector_load %arg9[%get3A_374, %get3A_375, %get3A_376] {strides = array<i32>} : memref<4x128x64xf32, #tpu.memory_space<vmem>>, vector<16xf32>,
      %get3A_378 = arith.index_cast %select_n3A : i32 to index
      %get3A_379 = arith.index_cast %add3A_354 : i32 to index
      %get3A_380 = arith.constant 32 : index
      %get3A_381 = tpu.vector_load %arg10[%get3A_378, %get3A_379, %get3A_380] {strides = array<i32>} : memref<4x128x64xf32, #tpu.memory_space<vmem>>, vector<16xf32>,
      %mul3A_382 = arith.mulf %get3A_377, %get3A_381 : vector<16xf32>
      %add3A_383 = arith.addf %add3A_373, %mul3A_382 : vector<16xf32>
      %get3A_384 = arith.index_cast %select_n3A : i32 to index
      %get3A_385 = arith.index_cast %add3A_354 : i32 to index
      %get3A_386 = arith.constant 48 : index
      %get3A_387 = tpu.vector_load %arg9[%get3A_384, %get3A_385, %get3A_386] {strides = array<i32>} : memref<4x128x64xf32, #tpu.memory_space<vmem>>, vector<16xf32>,
      %get3A_388 = arith.index_cast %select_n3A : i32 to index
      %get3A_389 = arith.index_cast %add3A_354 : i32 to index
      %get3A_390 = arith.constant 48 : index
      %get3A_391 = tpu.vector_load %arg10[%get3A_388, %get3A_389, %get3A_390] {strides = array<i32>} : memref<4x128x64xf32, #tpu.memory_space<vmem>>, vector<16xf32>,
      %mul3A_392 = arith.mulf %get3A_387, %get3A_391 : vector<16xf32>
      %add3A_393 = arith.addf %add3A_383, %mul3A_392 : vector<16xf32>
      %eq3A_394 = arith.constant 2 : i32
      %eq3A_395 = vector.broadcast %eq3A_394 : i32 to vector<16xi32>
      %eq3A_396 = arith.cmpi eq, %iota3A, %eq3A_395 : vector<16xi32>
      %reduce_sum3A_397 = arith.constant true
      %reduce_sum3A_398 = vector.broadcast %reduce_sum3A_397 : i1 to vector<16xi1>
      %reduce_sum3A_399 = tpu.scan <sum>, %add3A_393 masked %reduce_sum3A_398 : vector<16xf32>, vector<16xi1> -> vector<16xf32>
      %reduce_sum3A_400 = vector.extract %reduce_sum3A_399[15] : f32 from vector<16xf32>
      %broadcast_in_dim3A_401 = vector.broadcast %reduce_sum3A_400 : f32 to vector<16xf32>
      %select_n3A_402 = arith.select %eq3A_396, %broadcast_in_dim3A_401, %select_n3A_352 : vector<16xi1>, vector<16xf32>
      %add3A_403 = arith.constant 3 : i32
      %add3A_404 = arith.addi %mul3A_253, %add3A_403 : i32
      %get3A_405 = arith.index_cast %select_n3A : i32 to index
      %get3A_406 = arith.index_cast %add3A_404 : i32 to index
      %get3A_407 = arith.constant 0 : index
      %get3A_408 = tpu.vector_load %arg9[%get3A_405, %get3A_406, %get3A_407] {strides = array<i32>} : memref<4x128x64xf32, #tpu.memory_space<vmem>>, vector<16xf32>,
      %get3A_409 = arith.index_cast %select_n3A : i32 to index
      %get3A_410 = arith.index_cast %add3A_404 : i32 to index
      %get3A_411 = arith.constant 0 : index
      %get3A_412 = tpu.vector_load %arg10[%get3A_409, %get3A_410, %get3A_411] {strides = array<i32>} : memref<4x128x64xf32, #tpu.memory_space<vmem>>, vector<16xf32>,
      %mul3A_413 = arith.mulf %get3A_408, %get3A_412 : vector<16xf32>
      %get3A_414 = arith.index_cast %select_n3A : i32 to index
      %get3A_415 = arith.index_cast %add3A_404 : i32 to index
      %get3A_416 = arith.constant 16 : index
      %get3A_417 = tpu.vector_load %arg9[%get3A_414, %get3A_415, %get3A_416] {strides = array<i32>} : memref<4x128x64xf32, #tpu.memory_space<vmem>>, vector<16xf32>,
      %get3A_418 = arith.index_cast %select_n3A : i32 to index
      %get3A_419 = arith.index_cast %add3A_404 : i32 to index
      %get3A_420 = arith.constant 16 : index
      %get3A_421 = tpu.vector_load %arg10[%get3A_418, %get3A_419, %get3A_420] {strides = array<i32>} : memref<4x128x64xf32, #tpu.memory_space<vmem>>, vector<16xf32>,
      %mul3A_422 = arith.mulf %get3A_417, %get3A_421 : vector<16xf32>
      %add3A_423 = arith.addf %mul3A_413, %mul3A_422 : vector<16xf32>
      %get3A_424 = arith.index_cast %select_n3A : i32 to index
      %get3A_425 = arith.index_cast %add3A_404 : i32 to index
      %get3A_426 = arith.constant 32 : index
      %get3A_427 = tpu.vector_load %arg9[%get3A_424, %get3A_425, %get3A_426] {strides = array<i32>} : memref<4x128x64xf32, #tpu.memory_space<vmem>>, vector<16xf32>,
      %get3A_428 = arith.index_cast %select_n3A : i32 to index
      %get3A_429 = arith.index_cast %add3A_404 : i32 to index
      %get3A_430 = arith.constant 32 : index
      %get3A_431 = tpu.vector_load %arg10[%get3A_428, %get3A_429, %get3A_430] {strides = array<i32>} : memref<4x128x64xf32, #tpu.memory_space<vmem>>, vector<16xf32>,
      %mul3A_432 = arith.mulf %get3A_427, %get3A_431 : vector<16xf32>
      %add3A_433 = arith.addf %add3A_423, %mul3A_432 : vector<16xf32>
      %get3A_434 = arith.index_cast %select_n3A : i32 to index
      %get3A_435 = arith.index_cast %add3A_404 : i32 to index
      %get3A_436 = arith.constant 48 : index
      %get3A_437 = tpu.vector_load %arg9[%get3A_434, %get3A_435, %get3A_436] {strides = array<i32>} : memref<4x128x64xf32, #tpu.memory_space<vmem>>, vector<16xf32>,
      %get3A_438 = arith.index_cast %select_n3A : i32 to index
      %get3A_439 = arith.index_cast %add3A_404 : i32 to index
      %get3A_440 = arith.constant 48 : index
      %get3A_441 = tpu.vector_load %arg10[%get3A_438, %get3A_439, %get3A_440] {strides = array<i32>} : memref<4x128x64xf32, #tpu.memory_space<vmem>>, vector<16xf32>,
      %mul3A_442 = arith.mulf %get3A_437, %get3A_441 : vector<16xf32>
      %add3A_443 = arith.addf %add3A_433, %mul3A_442 : vector<16xf32>
      %eq3A_444 = arith.constant 3 : i32
      %eq3A_445 = vector.broadcast %eq3A_444 : i32 to vector<16xi32>
      %eq3A_446 = arith.cmpi eq, %iota3A, %eq3A_445 : vector<16xi32>
      %reduce_sum3A_447 = arith.constant true
      %reduce_sum3A_448 = vector.broadcast %reduce_sum3A_447 : i1 to vector<16xi1>
      %reduce_sum3A_449 = tpu.scan <sum>, %add3A_443 masked %reduce_sum3A_448 : vector<16xf32>, vector<16xi1> -> vector<16xf32>
      %reduce_sum3A_450 = vector.extract %reduce_sum3A_449[15] : f32 from vector<16xf32>
      %broadcast_in_dim3A_451 = vector.broadcast %reduce_sum3A_450 : f32 to vector<16xf32>
      %select_n3A_452 = arith.select %eq3A_446, %broadcast_in_dim3A_451, %select_n3A_402 : vector<16xi1>, vector<16xf32>
      %add3A_453 = arith.constant 4 : i32
      %add3A_454 = arith.addi %mul3A_253, %add3A_453 : i32
      %get3A_455 = arith.index_cast %select_n3A : i32 to index
      %get3A_456 = arith.index_cast %add3A_454 : i32 to index
      %get3A_457 = arith.constant 0 : index
      %get3A_458 = tpu.vector_load %arg9[%get3A_455, %get3A_456, %get3A_457] {strides = array<i32>} : memref<4x128x64xf32, #tpu.memory_space<vmem>>, vector<16xf32>,
      %get3A_459 = arith.index_cast %select_n3A : i32 to index
      %get3A_460 = arith.index_cast %add3A_454 : i32 to index
      %get3A_461 = arith.constant 0 : index
      %get3A_462 = tpu.vector_load %arg10[%get3A_459, %get3A_460, %get3A_461] {strides = array<i32>} : memref<4x128x64xf32, #tpu.memory_space<vmem>>, vector<16xf32>,
      %mul3A_463 = arith.mulf %get3A_458, %get3A_462 : vector<16xf32>
      %get3A_464 = arith.index_cast %select_n3A : i32 to index
      %get3A_465 = arith.index_cast %add3A_454 : i32 to index
      %get3A_466 = arith.constant 16 : index
      %get3A_467 = tpu.vector_load %arg9[%get3A_464, %get3A_465, %get3A_466] {strides = array<i32>} : memref<4x128x64xf32, #tpu.memory_space<vmem>>, vector<16xf32>,
      %get3A_468 = arith.index_cast %select_n3A : i32 to index
      %get3A_469 = arith.index_cast %add3A_454 : i32 to index
      %get3A_470 = arith.constant 16 : index
      %get3A_471 = tpu.vector_load %arg10[%get3A_468, %get3A_469, %get3A_470] {strides = array<i32>} : memref<4x128x64xf32, #tpu.memory_space<vmem>>, vector<16xf32>,
      %mul3A_472 = arith.mulf %get3A_467, %get3A_471 : vector<16xf32>
      %add3A_473 = arith.addf %mul3A_463, %mul3A_472 : vector<16xf32>
      %get3A_474 = arith.index_cast %select_n3A : i32 to index
      %get3A_475 = arith.index_cast %add3A_454 : i32 to index
      %get3A_476 = arith.constant 32 : index
      %get3A_477 = tpu.vector_load %arg9[%get3A_474, %get3A_475, %get3A_476] {strides = array<i32>} : memref<4x128x64xf32, #tpu.memory_space<vmem>>, vector<16xf32>,
      %get3A_478 = arith.index_cast %select_n3A : i32 to index
      %get3A_479 = arith.index_cast %add3A_454 : i32 to index
      %get3A_480 = arith.constant 32 : index
      %get3A_481 = tpu.vector_load %arg10[%get3A_478, %get3A_479, %get3A_480] {strides = array<i32>} : memref<4x128x64xf32, #tpu.memory_space<vmem>>, vector<16xf32>,
      %mul3A_482 = arith.mulf %get3A_477, %get3A_481 : vector<16xf32>
      %add3A_483 = arith.addf %add3A_473, %mul3A_482 : vector<16xf32>
      %get3A_484 = arith.index_cast %select_n3A : i32 to index
      %get3A_485 = arith.index_cast %add3A_454 : i32 to index
      %get3A_486 = arith.constant 48 : index
      %get3A_487 = tpu.vector_load %arg9[%get3A_484, %get3A_485, %get3A_486] {strides = array<i32>} : memref<4x128x64xf32, #tpu.memory_space<vmem>>, vector<16xf32>,
      %get3A_488 = arith.index_cast %select_n3A : i32 to index
      %get3A_489 = arith.index_cast %add3A_454 : i32 to index
      %get3A_490 = arith.constant 48 : index
      %get3A_491 = tpu.vector_load %arg10[%get3A_488, %get3A_489, %get3A_490] {strides = array<i32>} : memref<4x128x64xf32, #tpu.memory_space<vmem>>, vector<16xf32>,
      %mul3A_492 = arith.mulf %get3A_487, %get3A_491 : vector<16xf32>
      %add3A_493 = arith.addf %add3A_483, %mul3A_492 : vector<16xf32>
      %eq3A_494 = arith.constant 4 : i32
      %eq3A_495 = vector.broadcast %eq3A_494 : i32 to vector<16xi32>
      %eq3A_496 = arith.cmpi eq, %iota3A, %eq3A_495 : vector<16xi32>
      %reduce_sum3A_497 = arith.constant true
      %reduce_sum3A_498 = vector.broadcast %reduce_sum3A_497 : i1 to vector<16xi1>
      %reduce_sum3A_499 = tpu.scan <sum>, %add3A_493 masked %reduce_sum3A_498 : vector<16xf32>, vector<16xi1> -> vector<16xf32>
      %reduce_sum3A_500 = vector.extract %reduce_sum3A_499[15] : f32 from vector<16xf32>
      %broadcast_in_dim3A_501 = vector.broadcast %reduce_sum3A_500 : f32 to vector<16xf32>
      %select_n3A_502 = arith.select %eq3A_496, %broadcast_in_dim3A_501, %select_n3A_452 : vector<16xi1>, vector<16xf32>
      %add3A_503 = arith.constant 5 : i32
      %add3A_504 = arith.addi %mul3A_253, %add3A_503 : i32
      %get3A_505 = arith.index_cast %select_n3A : i32 to index
      %get3A_506 = arith.index_cast %add3A_504 : i32 to index
      %get3A_507 = arith.constant 0 : index
      %get3A_508 = tpu.vector_load %arg9[%get3A_505, %get3A_506, %get3A_507] {strides = array<i32>} : memref<4x128x64xf32, #tpu.memory_space<vmem>>, vector<16xf32>,
      %get3A_509 = arith.index_cast %select_n3A : i32 to index
      %get3A_510 = arith.index_cast %add3A_504 : i32 to index
      %get3A_511 = arith.constant 0 : index
      %get3A_512 = tpu.vector_load %arg10[%get3A_509, %get3A_510, %get3A_511] {strides = array<i32>} : memref<4x128x64xf32, #tpu.memory_space<vmem>>, vector<16xf32>,
      %mul3A_513 = arith.mulf %get3A_508, %get3A_512 : vector<16xf32>
      %get3A_514 = arith.index_cast %select_n3A : i32 to index
      %get3A_515 = arith.index_cast %add3A_504 : i32 to index
      %get3A_516 = arith.constant 16 : index
      %get3A_517 = tpu.vector_load %arg9[%get3A_514, %get3A_515, %get3A_516] {strides = array<i32>} : memref<4x128x64xf32, #tpu.memory_space<vmem>>, vector<16xf32>,
      %get3A_518 = arith.index_cast %select_n3A : i32 to index
      %get3A_519 = arith.index_cast %add3A_504 : i32 to index
      %get3A_520 = arith.constant 16 : index
      %get3A_521 = tpu.vector_load %arg10[%get3A_518, %get3A_519, %get3A_520] {strides = array<i32>} : memref<4x128x64xf32, #tpu.memory_space<vmem>>, vector<16xf32>,
      %mul3A_522 = arith.mulf %get3A_517, %get3A_521 : vector<16xf32>
      %add3A_523 = arith.addf %mul3A_513, %mul3A_522 : vector<16xf32>
      %get3A_524 = arith.index_cast %select_n3A : i32 to index
      %get3A_525 = arith.index_cast %add3A_504 : i32 to index
      %get3A_526 = arith.constant 32 : index
      %get3A_527 = tpu.vector_load %arg9[%get3A_524, %get3A_525, %get3A_526] {strides = array<i32>} : memref<4x128x64xf32, #tpu.memory_space<vmem>>, vector<16xf32>,
      %get3A_528 = arith.index_cast %select_n3A : i32 to index
      %get3A_529 = arith.index_cast %add3A_504 : i32 to index
      %get3A_530 = arith.constant 32 : index
      %get3A_531 = tpu.vector_load %arg10[%get3A_528, %get3A_529, %get3A_530] {strides = array<i32>} : memref<4x128x64xf32, #tpu.memory_space<vmem>>, vector<16xf32>,
      %mul3A_532 = arith.mulf %get3A_527, %get3A_531 : vector<16xf32>
      %add3A_533 = arith.addf %add3A_523, %mul3A_532 : vector<16xf32>
      %get3A_534 = arith.index_cast %select_n3A : i32 to index
      %get3A_535 = arith.index_cast %add3A_504 : i32 to index
      %get3A_536 = arith.constant 48 : index
      %get3A_537 = tpu.vector_load %arg9[%get3A_534, %get3A_535, %get3A_536] {strides = array<i32>} : memref<4x128x64xf32, #tpu.memory_space<vmem>>, vector<16xf32>,
      %get3A_538 = arith.index_cast %select_n3A : i32 to index
      %get3A_539 = arith.index_cast %add3A_504 : i32 to index
      %get3A_540 = arith.constant 48 : index
      %get3A_541 = tpu.vector_load %arg10[%get3A_538, %get3A_539, %get3A_540] {strides = array<i32>} : memref<4x128x64xf32, #tpu.memory_space<vmem>>, vector<16xf32>,
      %mul3A_542 = arith.mulf %get3A_537, %get3A_541 : vector<16xf32>
      %add3A_543 = arith.addf %add3A_533, %mul3A_542 : vector<16xf32>
      %eq3A_544 = arith.constant 5 : i32
      %eq3A_545 = vector.broadcast %eq3A_544 : i32 to vector<16xi32>
      %eq3A_546 = arith.cmpi eq, %iota3A, %eq3A_545 : vector<16xi32>
      %reduce_sum3A_547 = arith.constant true
      %reduce_sum3A_548 = vector.broadcast %reduce_sum3A_547 : i1 to vector<16xi1>
      %reduce_sum3A_549 = tpu.scan <sum>, %add3A_543 masked %reduce_sum3A_548 : vector<16xf32>, vector<16xi1> -> vector<16xf32>
      %reduce_sum3A_550 = vector.extract %reduce_sum3A_549[15] : f32 from vector<16xf32>
      %broadcast_in_dim3A_551 = vector.broadcast %reduce_sum3A_550 : f32 to vector<16xf32>
      %select_n3A_552 = arith.select %eq3A_546, %broadcast_in_dim3A_551, %select_n3A_502 : vector<16xi1>, vector<16xf32>
      %add3A_553 = arith.constant 6 : i32
      %add3A_554 = arith.addi %mul3A_253, %add3A_553 : i32
      %get3A_555 = arith.index_cast %select_n3A : i32 to index
      %get3A_556 = arith.index_cast %add3A_554 : i32 to index
      %get3A_557 = arith.constant 0 : index
      %get3A_558 = tpu.vector_load %arg9[%get3A_555, %get3A_556, %get3A_557] {strides = array<i32>} : memref<4x128x64xf32, #tpu.memory_space<vmem>>, vector<16xf32>,
      %get3A_559 = arith.index_cast %select_n3A : i32 to index
      %get3A_560 = arith.index_cast %add3A_554 : i32 to index
      %get3A_561 = arith.constant 0 : index
      %get3A_562 = tpu.vector_load %arg10[%get3A_559, %get3A_560, %get3A_561] {strides = array<i32>} : memref<4x128x64xf32, #tpu.memory_space<vmem>>, vector<16xf32>,
      %mul3A_563 = arith.mulf %get3A_558, %get3A_562 : vector<16xf32>
      %get3A_564 = arith.index_cast %select_n3A : i32 to index
      %get3A_565 = arith.index_cast %add3A_554 : i32 to index
      %get3A_566 = arith.constant 16 : index
      %get3A_567 = tpu.vector_load %arg9[%get3A_564, %get3A_565, %get3A_566] {strides = array<i32>} : memref<4x128x64xf32, #tpu.memory_space<vmem>>, vector<16xf32>,
      %get3A_568 = arith.index_cast %select_n3A : i32 to index
      %get3A_569 = arith.index_cast %add3A_554 : i32 to index
      %get3A_570 = arith.constant 16 : index
      %get3A_571 = tpu.vector_load %arg10[%get3A_568, %get3A_569, %get3A_570] {strides = array<i32>} : memref<4x128x64xf32, #tpu.memory_space<vmem>>, vector<16xf32>,
      %mul3A_572 = arith.mulf %get3A_567, %get3A_571 : vector<16xf32>
      %add3A_573 = arith.addf %mul3A_563, %mul3A_572 : vector<16xf32>
      %get3A_574 = arith.index_cast %select_n3A : i32 to index
      %get3A_575 = arith.index_cast %add3A_554 : i32 to index
      %get3A_576 = arith.constant 32 : index
      %get3A_577 = tpu.vector_load %arg9[%get3A_574, %get3A_575, %get3A_576] {strides = array<i32>} : memref<4x128x64xf32, #tpu.memory_space<vmem>>, vector<16xf32>,
      %get3A_578 = arith.index_cast %select_n3A : i32 to index
      %get3A_579 = arith.index_cast %add3A_554 : i32 to index
      %get3A_580 = arith.constant 32 : index
      %get3A_581 = tpu.vector_load %arg10[%get3A_578, %get3A_579, %get3A_580] {strides = array<i32>} : memref<4x128x64xf32, #tpu.memory_space<vmem>>, vector<16xf32>,
      %mul3A_582 = arith.mulf %get3A_577, %get3A_581 : vector<16xf32>
      %add3A_583 = arith.addf %add3A_573, %mul3A_582 : vector<16xf32>
      %get3A_584 = arith.index_cast %select_n3A : i32 to index
      %get3A_585 = arith.index_cast %add3A_554 : i32 to index
      %get3A_586 = arith.constant 48 : index
      %get3A_587 = tpu.vector_load %arg9[%get3A_584, %get3A_585, %get3A_586] {strides = array<i32>} : memref<4x128x64xf32, #tpu.memory_space<vmem>>, vector<16xf32>,
      %get3A_588 = arith.index_cast %select_n3A : i32 to index
      %get3A_589 = arith.index_cast %add3A_554 : i32 to index
      %get3A_590 = arith.constant 48 : index
      %get3A_591 = tpu.vector_load %arg10[%get3A_588, %get3A_589, %get3A_590] {strides = array<i32>} : memref<4x128x64xf32, #tpu.memory_space<vmem>>, vector<16xf32>,
      %mul3A_592 = arith.mulf %get3A_587, %get3A_591 : vector<16xf32>
      %add3A_593 = arith.addf %add3A_583, %mul3A_592 : vector<16xf32>
      %eq3A_594 = arith.constant 6 : i32
      %eq3A_595 = vector.broadcast %eq3A_594 : i32 to vector<16xi32>
      %eq3A_596 = arith.cmpi eq, %iota3A, %eq3A_595 : vector<16xi32>
      %reduce_sum3A_597 = arith.constant true
      %reduce_sum3A_598 = vector.broadcast %reduce_sum3A_597 : i1 to vector<16xi1>
      %reduce_sum3A_599 = tpu.scan <sum>, %add3A_593 masked %reduce_sum3A_598 : vector<16xf32>, vector<16xi1> -> vector<16xf32>
      %reduce_sum3A_600 = vector.extract %reduce_sum3A_599[15] : f32 from vector<16xf32>
      %broadcast_in_dim3A_601 = vector.broadcast %reduce_sum3A_600 : f32 to vector<16xf32>
      %select_n3A_602 = arith.select %eq3A_596, %broadcast_in_dim3A_601, %select_n3A_552 : vector<16xi1>, vector<16xf32>
      %add3A_603 = arith.constant 7 : i32
      %add3A_604 = arith.addi %mul3A_253, %add3A_603 : i32
      %get3A_605 = arith.index_cast %select_n3A : i32 to index
      %get3A_606 = arith.index_cast %add3A_604 : i32 to index
      %get3A_607 = arith.constant 0 : index
      %get3A_608 = tpu.vector_load %arg9[%get3A_605, %get3A_606, %get3A_607] {strides = array<i32>} : memref<4x128x64xf32, #tpu.memory_space<vmem>>, vector<16xf32>,
      %get3A_609 = arith.index_cast %select_n3A : i32 to index
      %get3A_610 = arith.index_cast %add3A_604 : i32 to index
      %get3A_611 = arith.constant 0 : index
      %get3A_612 = tpu.vector_load %arg10[%get3A_609, %get3A_610, %get3A_611] {strides = array<i32>} : memref<4x128x64xf32, #tpu.memory_space<vmem>>, vector<16xf32>,
      %mul3A_613 = arith.mulf %get3A_608, %get3A_612 : vector<16xf32>
      %get3A_614 = arith.index_cast %select_n3A : i32 to index
      %get3A_615 = arith.index_cast %add3A_604 : i32 to index
      %get3A_616 = arith.constant 16 : index
      %get3A_617 = tpu.vector_load %arg9[%get3A_614, %get3A_615, %get3A_616] {strides = array<i32>} : memref<4x128x64xf32, #tpu.memory_space<vmem>>, vector<16xf32>,
      %get3A_618 = arith.index_cast %select_n3A : i32 to index
      %get3A_619 = arith.index_cast %add3A_604 : i32 to index
      %get3A_620 = arith.constant 16 : index
      %get3A_621 = tpu.vector_load %arg10[%get3A_618, %get3A_619, %get3A_620] {strides = array<i32>} : memref<4x128x64xf32, #tpu.memory_space<vmem>>, vector<16xf32>,
      %mul3A_622 = arith.mulf %get3A_617, %get3A_621 : vector<16xf32>
      %add3A_623 = arith.addf %mul3A_613, %mul3A_622 : vector<16xf32>
      %get3A_624 = arith.index_cast %select_n3A : i32 to index
      %get3A_625 = arith.index_cast %add3A_604 : i32 to index
      %get3A_626 = arith.constant 32 : index
      %get3A_627 = tpu.vector_load %arg9[%get3A_624, %get3A_625, %get3A_626] {strides = array<i32>} : memref<4x128x64xf32, #tpu.memory_space<vmem>>, vector<16xf32>,
      %get3A_628 = arith.index_cast %select_n3A : i32 to index
      %get3A_629 = arith.index_cast %add3A_604 : i32 to index
      %get3A_630 = arith.constant 32 : index
      %get3A_631 = tpu.vector_load %arg10[%get3A_628, %get3A_629, %get3A_630] {strides = array<i32>} : memref<4x128x64xf32, #tpu.memory_space<vmem>>, vector<16xf32>,
      %mul3A_632 = arith.mulf %get3A_627, %get3A_631 : vector<16xf32>
      %add3A_633 = arith.addf %add3A_623, %mul3A_632 : vector<16xf32>
      %get3A_634 = arith.index_cast %select_n3A : i32 to index
      %get3A_635 = arith.index_cast %add3A_604 : i32 to index
      %get3A_636 = arith.constant 48 : index
      %get3A_637 = tpu.vector_load %arg9[%get3A_634, %get3A_635, %get3A_636] {strides = array<i32>} : memref<4x128x64xf32, #tpu.memory_space<vmem>>, vector<16xf32>,
      %get3A_638 = arith.index_cast %select_n3A : i32 to index
      %get3A_639 = arith.index_cast %add3A_604 : i32 to index
      %get3A_640 = arith.constant 48 : index
      %get3A_641 = tpu.vector_load %arg10[%get3A_638, %get3A_639, %get3A_640] {strides = array<i32>} : memref<4x128x64xf32, #tpu.memory_space<vmem>>, vector<16xf32>,
      %mul3A_642 = arith.mulf %get3A_637, %get3A_641 : vector<16xf32>
      %add3A_643 = arith.addf %add3A_633, %mul3A_642 : vector<16xf32>
      %eq3A_644 = arith.constant 7 : i32
      %eq3A_645 = vector.broadcast %eq3A_644 : i32 to vector<16xi32>
      %eq3A_646 = arith.cmpi eq, %iota3A, %eq3A_645 : vector<16xi32>
      %reduce_sum3A_647 = arith.constant true
      %reduce_sum3A_648 = vector.broadcast %reduce_sum3A_647 : i1 to vector<16xi1>
      %reduce_sum3A_649 = tpu.scan <sum>, %add3A_643 masked %reduce_sum3A_648 : vector<16xf32>, vector<16xi1> -> vector<16xf32>
      %reduce_sum3A_650 = vector.extract %reduce_sum3A_649[15] : f32 from vector<16xf32>
      %broadcast_in_dim3A_651 = vector.broadcast %reduce_sum3A_650 : f32 to vector<16xf32>
      %select_n3A_652 = arith.select %eq3A_646, %broadcast_in_dim3A_651, %select_n3A_602 : vector<16xi1>, vector<16xf32>
      %add3A_653 = arith.constant 8 : i32
      %add3A_654 = arith.addi %mul3A_253, %add3A_653 : i32
      %get3A_655 = arith.index_cast %select_n3A : i32 to index
      %get3A_656 = arith.index_cast %add3A_654 : i32 to index
      %get3A_657 = arith.constant 0 : index
      %get3A_658 = tpu.vector_load %arg9[%get3A_655, %get3A_656, %get3A_657] {strides = array<i32>} : memref<4x128x64xf32, #tpu.memory_space<vmem>>, vector<16xf32>,
      %get3A_659 = arith.index_cast %select_n3A : i32 to index
      %get3A_660 = arith.index_cast %add3A_654 : i32 to index
      %get3A_661 = arith.constant 0 : index
      %get3A_662 = tpu.vector_load %arg10[%get3A_659, %get3A_660, %get3A_661] {strides = array<i32>} : memref<4x128x64xf32, #tpu.memory_space<vmem>>, vector<16xf32>,
      %mul3A_663 = arith.mulf %get3A_658, %get3A_662 : vector<16xf32>
      %get3A_664 = arith.index_cast %select_n3A : i32 to index
      %get3A_665 = arith.index_cast %add3A_654 : i32 to index
      %get3A_666 = arith.constant 16 : index
      %get3A_667 = tpu.vector_load %arg9[%get3A_664, %get3A_665, %get3A_666] {strides = array<i32>} : memref<4x128x64xf32, #tpu.memory_space<vmem>>, vector<16xf32>,
      %get3A_668 = arith.index_cast %select_n3A : i32 to index
      %get3A_669 = arith.index_cast %add3A_654 : i32 to index
      %get3A_670 = arith.constant 16 : index
      %get3A_671 = tpu.vector_load %arg10[%get3A_668, %get3A_669, %get3A_670] {strides = array<i32>} : memref<4x128x64xf32, #tpu.memory_space<vmem>>, vector<16xf32>,
      %mul3A_672 = arith.mulf %get3A_667, %get3A_671 : vector<16xf32>
      %add3A_673 = arith.addf %mul3A_663, %mul3A_672 : vector<16xf32>
      %get3A_674 = arith.index_cast %select_n3A : i32 to index
      %get3A_675 = arith.index_cast %add3A_654 : i32 to index
      %get3A_676 = arith.constant 32 : index
      %get3A_677 = tpu.vector_load %arg9[%get3A_674, %get3A_675, %get3A_676] {strides = array<i32>} : memref<4x128x64xf32, #tpu.memory_space<vmem>>, vector<16xf32>,
      %get3A_678 = arith.index_cast %select_n3A : i32 to index
      %get3A_679 = arith.index_cast %add3A_654 : i32 to index
      %get3A_680 = arith.constant 32 : index
      %get3A_681 = tpu.vector_load %arg10[%get3A_678, %get3A_679, %get3A_680] {strides = array<i32>} : memref<4x128x64xf32, #tpu.memory_space<vmem>>, vector<16xf32>,
      %mul3A_682 = arith.mulf %get3A_677, %get3A_681 : vector<16xf32>
      %add3A_683 = arith.addf %add3A_673, %mul3A_682 : vector<16xf32>
      %get3A_684 = arith.index_cast %select_n3A : i32 to index
      %get3A_685 = arith.index_cast %add3A_654 : i32 to index
      %get3A_686 = arith.constant 48 : index
      %get3A_687 = tpu.vector_load %arg9[%get3A_684, %get3A_685, %get3A_686] {strides = array<i32>} : memref<4x128x64xf32, #tpu.memory_space<vmem>>, vector<16xf32>,
      %get3A_688 = arith.index_cast %select_n3A : i32 to index
      %get3A_689 = arith.index_cast %add3A_654 : i32 to index
      %get3A_690 = arith.constant 48 : index
      %get3A_691 = tpu.vector_load %arg10[%get3A_688, %get3A_689, %get3A_690] {strides = array<i32>} : memref<4x128x64xf32, #tpu.memory_space<vmem>>, vector<16xf32>,
      %mul3A_692 = arith.mulf %get3A_687, %get3A_691 : vector<16xf32>
      %add3A_693 = arith.addf %add3A_683, %mul3A_692 : vector<16xf32>
      %eq3A_694 = arith.constant 8 : i32
      %eq3A_695 = vector.broadcast %eq3A_694 : i32 to vector<16xi32>
      %eq3A_696 = arith.cmpi eq, %iota3A, %eq3A_695 : vector<16xi32>
      %reduce_sum3A_697 = arith.constant true
      %reduce_sum3A_698 = vector.broadcast %reduce_sum3A_697 : i1 to vector<16xi1>
      %reduce_sum3A_699 = tpu.scan <sum>, %add3A_693 masked %reduce_sum3A_698 : vector<16xf32>, vector<16xi1> -> vector<16xf32>
      %reduce_sum3A_700 = vector.extract %reduce_sum3A_699[15] : f32 from vector<16xf32>
      %broadcast_in_dim3A_701 = vector.broadcast %reduce_sum3A_700 : f32 to vector<16xf32>
      %select_n3A_702 = arith.select %eq3A_696, %broadcast_in_dim3A_701, %select_n3A_652 : vector<16xi1>, vector<16xf32>
      %add3A_703 = arith.constant 9 : i32
      %add3A_704 = arith.addi %mul3A_253, %add3A_703 : i32
      %get3A_705 = arith.index_cast %select_n3A : i32 to index
      %get3A_706 = arith.index_cast %add3A_704 : i32 to index
      %get3A_707 = arith.constant 0 : index
      %get3A_708 = tpu.vector_load %arg9[%get3A_705, %get3A_706, %get3A_707] {strides = array<i32>} : memref<4x128x64xf32, #tpu.memory_space<vmem>>, vector<16xf32>,
      %get3A_709 = arith.index_cast %select_n3A : i32 to index
      %get3A_710 = arith.index_cast %add3A_704 : i32 to index
      %get3A_711 = arith.constant 0 : index
      %get3A_712 = tpu.vector_load %arg10[%get3A_709, %get3A_710, %get3A_711] {strides = array<i32>} : memref<4x128x64xf32, #tpu.memory_space<vmem>>, vector<16xf32>,
      %mul3A_713 = arith.mulf %get3A_708, %get3A_712 : vector<16xf32>
      %get3A_714 = arith.index_cast %select_n3A : i32 to index
      %get3A_715 = arith.index_cast %add3A_704 : i32 to index
      %get3A_716 = arith.constant 16 : index
      %get3A_717 = tpu.vector_load %arg9[%get3A_714, %get3A_715, %get3A_716] {strides = array<i32>} : memref<4x128x64xf32, #tpu.memory_space<vmem>>, vector<16xf32>,
      %get3A_718 = arith.index_cast %select_n3A : i32 to index
      %get3A_719 = arith.index_cast %add3A_704 : i32 to index
      %get3A_720 = arith.constant 16 : index
      %get3A_721 = tpu.vector_load %arg10[%get3A_718, %get3A_719, %get3A_720] {strides = array<i32>} : memref<4x128x64xf32, #tpu.memory_space<vmem>>, vector<16xf32>,
      %mul3A_722 = arith.mulf %get3A_717, %get3A_721 : vector<16xf32>
      %add3A_723 = arith.addf %mul3A_713, %mul3A_722 : vector<16xf32>
      %get3A_724 = arith.index_cast %select_n3A : i32 to index
      %get3A_725 = arith.index_cast %add3A_704 : i32 to index
      %get3A_726 = arith.constant 32 : index
      %get3A_727 = tpu.vector_load %arg9[%get3A_724, %get3A_725, %get3A_726] {strides = array<i32>} : memref<4x128x64xf32, #tpu.memory_space<vmem>>, vector<16xf32>,
      %get3A_728 = arith.index_cast %select_n3A : i32 to index
      %get3A_729 = arith.index_cast %add3A_704 : i32 to index
      %get3A_730 = arith.constant 32 : index
      %get3A_731 = tpu.vector_load %arg10[%get3A_728, %get3A_729, %get3A_730] {strides = array<i32>} : memref<4x128x64xf32, #tpu.memory_space<vmem>>, vector<16xf32>,
      %mul3A_732 = arith.mulf %get3A_727, %get3A_731 : vector<16xf32>
      %add3A_733 = arith.addf %add3A_723, %mul3A_732 : vector<16xf32>
      %get3A_734 = arith.index_cast %select_n3A : i32 to index
      %get3A_735 = arith.index_cast %add3A_704 : i32 to index
      %get3A_736 = arith.constant 48 : index
      %get3A_737 = tpu.vector_load %arg9[%get3A_734, %get3A_735, %get3A_736] {strides = array<i32>} : memref<4x128x64xf32, #tpu.memory_space<vmem>>, vector<16xf32>,
      %get3A_738 = arith.index_cast %select_n3A : i32 to index
      %get3A_739 = arith.index_cast %add3A_704 : i32 to index
      %get3A_740 = arith.constant 48 : index
      %get3A_741 = tpu.vector_load %arg10[%get3A_738, %get3A_739, %get3A_740] {strides = array<i32>} : memref<4x128x64xf32, #tpu.memory_space<vmem>>, vector<16xf32>,
      %mul3A_742 = arith.mulf %get3A_737, %get3A_741 : vector<16xf32>
      %add3A_743 = arith.addf %add3A_733, %mul3A_742 : vector<16xf32>
      %eq3A_744 = arith.constant 9 : i32
      %eq3A_745 = vector.broadcast %eq3A_744 : i32 to vector<16xi32>
      %eq3A_746 = arith.cmpi eq, %iota3A, %eq3A_745 : vector<16xi32>
      %reduce_sum3A_747 = arith.constant true
      %reduce_sum3A_748 = vector.broadcast %reduce_sum3A_747 : i1 to vector<16xi1>
      %reduce_sum3A_749 = tpu.scan <sum>, %add3A_743 masked %reduce_sum3A_748 : vector<16xf32>, vector<16xi1> -> vector<16xf32>
      %reduce_sum3A_750 = vector.extract %reduce_sum3A_749[15] : f32 from vector<16xf32>
      %broadcast_in_dim3A_751 = vector.broadcast %reduce_sum3A_750 : f32 to vector<16xf32>
      %select_n3A_752 = arith.select %eq3A_746, %broadcast_in_dim3A_751, %select_n3A_702 : vector<16xi1>, vector<16xf32>
      %add3A_753 = arith.constant 10 : i32
      %add3A_754 = arith.addi %mul3A_253, %add3A_753 : i32
      %get3A_755 = arith.index_cast %select_n3A : i32 to index
      %get3A_756 = arith.index_cast %add3A_754 : i32 to index
      %get3A_757 = arith.constant 0 : index
      %get3A_758 = tpu.vector_load %arg9[%get3A_755, %get3A_756, %get3A_757] {strides = array<i32>} : memref<4x128x64xf32, #tpu.memory_space<vmem>>, vector<16xf32>,
      %get3A_759 = arith.index_cast %select_n3A : i32 to index
      %get3A_760 = arith.index_cast %add3A_754 : i32 to index
      %get3A_761 = arith.constant 0 : index
      %get3A_762 = tpu.vector_load %arg10[%get3A_759, %get3A_760, %get3A_761] {strides = array<i32>} : memref<4x128x64xf32, #tpu.memory_space<vmem>>, vector<16xf32>,
      %mul3A_763 = arith.mulf %get3A_758, %get3A_762 : vector<16xf32>
      %get3A_764 = arith.index_cast %select_n3A : i32 to index
      %get3A_765 = arith.index_cast %add3A_754 : i32 to index
      %get3A_766 = arith.constant 16 : index
      %get3A_767 = tpu.vector_load %arg9[%get3A_764, %get3A_765, %get3A_766] {strides = array<i32>} : memref<4x128x64xf32, #tpu.memory_space<vmem>>, vector<16xf32>,
      %get3A_768 = arith.index_cast %select_n3A : i32 to index
      %get3A_769 = arith.index_cast %add3A_754 : i32 to index
      %get3A_770 = arith.constant 16 : index
      %get3A_771 = tpu.vector_load %arg10[%get3A_768, %get3A_769, %get3A_770] {strides = array<i32>} : memref<4x128x64xf32, #tpu.memory_space<vmem>>, vector<16xf32>,
      %mul3A_772 = arith.mulf %get3A_767, %get3A_771 : vector<16xf32>
      %add3A_773 = arith.addf %mul3A_763, %mul3A_772 : vector<16xf32>
      %get3A_774 = arith.index_cast %select_n3A : i32 to index
      %get3A_775 = arith.index_cast %add3A_754 : i32 to index
      %get3A_776 = arith.constant 32 : index
      %get3A_777 = tpu.vector_load %arg9[%get3A_774, %get3A_775, %get3A_776] {strides = array<i32>} : memref<4x128x64xf32, #tpu.memory_space<vmem>>, vector<16xf32>,
      %get3A_778 = arith.index_cast %select_n3A : i32 to index
      %get3A_779 = arith.index_cast %add3A_754 : i32 to index
      %get3A_780 = arith.constant 32 : index
      %get3A_781 = tpu.vector_load %arg10[%get3A_778, %get3A_779, %get3A_780] {strides = array<i32>} : memref<4x128x64xf32, #tpu.memory_space<vmem>>, vector<16xf32>,
      %mul3A_782 = arith.mulf %get3A_777, %get3A_781 : vector<16xf32>
      %add3A_783 = arith.addf %add3A_773, %mul3A_782 : vector<16xf32>
      %get3A_784 = arith.index_cast %select_n3A : i32 to index
      %get3A_785 = arith.index_cast %add3A_754 : i32 to index
      %get3A_786 = arith.constant 48 : index
      %get3A_787 = tpu.vector_load %arg9[%get3A_784, %get3A_785, %get3A_786] {strides = array<i32>} : memref<4x128x64xf32, #tpu.memory_space<vmem>>, vector<16xf32>,
      %get3A_788 = arith.index_cast %select_n3A : i32 to index
      %get3A_789 = arith.index_cast %add3A_754 : i32 to index
      %get3A_790 = arith.constant 48 : index
      %get3A_791 = tpu.vector_load %arg10[%get3A_788, %get3A_789, %get3A_790] {strides = array<i32>} : memref<4x128x64xf32, #tpu.memory_space<vmem>>, vector<16xf32>,
      %mul3A_792 = arith.mulf %get3A_787, %get3A_791 : vector<16xf32>
      %add3A_793 = arith.addf %add3A_783, %mul3A_792 : vector<16xf32>
      %eq3A_794 = arith.constant 10 : i32
      %eq3A_795 = vector.broadcast %eq3A_794 : i32 to vector<16xi32>
      %eq3A_796 = arith.cmpi eq, %iota3A, %eq3A_795 : vector<16xi32>
      %reduce_sum3A_797 = arith.constant true
      %reduce_sum3A_798 = vector.broadcast %reduce_sum3A_797 : i1 to vector<16xi1>
      %reduce_sum3A_799 = tpu.scan <sum>, %add3A_793 masked %reduce_sum3A_798 : vector<16xf32>, vector<16xi1> -> vector<16xf32>
      %reduce_sum3A_800 = vector.extract %reduce_sum3A_799[15] : f32 from vector<16xf32>
      %broadcast_in_dim3A_801 = vector.broadcast %reduce_sum3A_800 : f32 to vector<16xf32>
      %select_n3A_802 = arith.select %eq3A_796, %broadcast_in_dim3A_801, %select_n3A_752 : vector<16xi1>, vector<16xf32>
      %add3A_803 = arith.constant 11 : i32
      %add3A_804 = arith.addi %mul3A_253, %add3A_803 : i32
      %get3A_805 = arith.index_cast %select_n3A : i32 to index
      %get3A_806 = arith.index_cast %add3A_804 : i32 to index
      %get3A_807 = arith.constant 0 : index
      %get3A_808 = tpu.vector_load %arg9[%get3A_805, %get3A_806, %get3A_807] {strides = array<i32>} : memref<4x128x64xf32, #tpu.memory_space<vmem>>, vector<16xf32>,
      %get3A_809 = arith.index_cast %select_n3A : i32 to index
      %get3A_810 = arith.index_cast %add3A_804 : i32 to index
      %get3A_811 = arith.constant 0 : index
      %get3A_812 = tpu.vector_load %arg10[%get3A_809, %get3A_810, %get3A_811] {strides = array<i32>} : memref<4x128x64xf32, #tpu.memory_space<vmem>>, vector<16xf32>,
      %mul3A_813 = arith.mulf %get3A_808, %get3A_812 : vector<16xf32>
      %get3A_814 = arith.index_cast %select_n3A : i32 to index
      %get3A_815 = arith.index_cast %add3A_804 : i32 to index
      %get3A_816 = arith.constant 16 : index
      %get3A_817 = tpu.vector_load %arg9[%get3A_814, %get3A_815, %get3A_816] {strides = array<i32>} : memref<4x128x64xf32, #tpu.memory_space<vmem>>, vector<16xf32>,
      %get3A_818 = arith.index_cast %select_n3A : i32 to index
      %get3A_819 = arith.index_cast %add3A_804 : i32 to index
      %get3A_820 = arith.constant 16 : index
      %get3A_821 = tpu.vector_load %arg10[%get3A_818, %get3A_819, %get3A_820] {strides = array<i32>} : memref<4x128x64xf32, #tpu.memory_space<vmem>>, vector<16xf32>,
      %mul3A_822 = arith.mulf %get3A_817, %get3A_821 : vector<16xf32>
      %add3A_823 = arith.addf %mul3A_813, %mul3A_822 : vector<16xf32>
      %get3A_824 = arith.index_cast %select_n3A : i32 to index
      %get3A_825 = arith.index_cast %add3A_804 : i32 to index
      %get3A_826 = arith.constant 32 : index
      %get3A_827 = tpu.vector_load %arg9[%get3A_824, %get3A_825, %get3A_826] {strides = array<i32>} : memref<4x128x64xf32, #tpu.memory_space<vmem>>, vector<16xf32>,
      %get3A_828 = arith.index_cast %select_n3A : i32 to index
      %get3A_829 = arith.index_cast %add3A_804 : i32 to index
      %get3A_830 = arith.constant 32 : index
      %get3A_831 = tpu.vector_load %arg10[%get3A_828, %get3A_829, %get3A_830] {strides = array<i32>} : memref<4x128x64xf32, #tpu.memory_space<vmem>>, vector<16xf32>,
      %mul3A_832 = arith.mulf %get3A_827, %get3A_831 : vector<16xf32>
      %add3A_833 = arith.addf %add3A_823, %mul3A_832 : vector<16xf32>
      %get3A_834 = arith.index_cast %select_n3A : i32 to index
      %get3A_835 = arith.index_cast %add3A_804 : i32 to index
      %get3A_836 = arith.constant 48 : index
      %get3A_837 = tpu.vector_load %arg9[%get3A_834, %get3A_835, %get3A_836] {strides = array<i32>} : memref<4x128x64xf32, #tpu.memory_space<vmem>>, vector<16xf32>,
      %get3A_838 = arith.index_cast %select_n3A : i32 to index
      %get3A_839 = arith.index_cast %add3A_804 : i32 to index
      %get3A_840 = arith.constant 48 : index
      %get3A_841 = tpu.vector_load %arg10[%get3A_838, %get3A_839, %get3A_840] {strides = array<i32>} : memref<4x128x64xf32, #tpu.memory_space<vmem>>, vector<16xf32>,
      %mul3A_842 = arith.mulf %get3A_837, %get3A_841 : vector<16xf32>
      %add3A_843 = arith.addf %add3A_833, %mul3A_842 : vector<16xf32>
      %eq3A_844 = arith.constant 11 : i32
      %eq3A_845 = vector.broadcast %eq3A_844 : i32 to vector<16xi32>
      %eq3A_846 = arith.cmpi eq, %iota3A, %eq3A_845 : vector<16xi32>
      %reduce_sum3A_847 = arith.constant true
      %reduce_sum3A_848 = vector.broadcast %reduce_sum3A_847 : i1 to vector<16xi1>
      %reduce_sum3A_849 = tpu.scan <sum>, %add3A_843 masked %reduce_sum3A_848 : vector<16xf32>, vector<16xi1> -> vector<16xf32>
      %reduce_sum3A_850 = vector.extract %reduce_sum3A_849[15] : f32 from vector<16xf32>
      %broadcast_in_dim3A_851 = vector.broadcast %reduce_sum3A_850 : f32 to vector<16xf32>
      %select_n3A_852 = arith.select %eq3A_846, %broadcast_in_dim3A_851, %select_n3A_802 : vector<16xi1>, vector<16xf32>
      %add3A_853 = arith.constant 12 : i32
      %add3A_854 = arith.addi %mul3A_253, %add3A_853 : i32
      %get3A_855 = arith.index_cast %select_n3A : i32 to index
      %get3A_856 = arith.index_cast %add3A_854 : i32 to index
      %get3A_857 = arith.constant 0 : index
      %get3A_858 = tpu.vector_load %arg9[%get3A_855, %get3A_856, %get3A_857] {strides = array<i32>} : memref<4x128x64xf32, #tpu.memory_space<vmem>>, vector<16xf32>,
      %get3A_859 = arith.index_cast %select_n3A : i32 to index
      %get3A_860 = arith.index_cast %add3A_854 : i32 to index
      %get3A_861 = arith.constant 0 : index
      %get3A_862 = tpu.vector_load %arg10[%get3A_859, %get3A_860, %get3A_861] {strides = array<i32>} : memref<4x128x64xf32, #tpu.memory_space<vmem>>, vector<16xf32>,
      %mul3A_863 = arith.mulf %get3A_858, %get3A_862 : vector<16xf32>
      %get3A_864 = arith.index_cast %select_n3A : i32 to index
      %get3A_865 = arith.index_cast %add3A_854 : i32 to index
      %get3A_866 = arith.constant 16 : index
      %get3A_867 = tpu.vector_load %arg9[%get3A_864, %get3A_865, %get3A_866] {strides = array<i32>} : memref<4x128x64xf32, #tpu.memory_space<vmem>>, vector<16xf32>,
      %get3A_868 = arith.index_cast %select_n3A : i32 to index
      %get3A_869 = arith.index_cast %add3A_854 : i32 to index
      %get3A_870 = arith.constant 16 : index
      %get3A_871 = tpu.vector_load %arg10[%get3A_868, %get3A_869, %get3A_870] {strides = array<i32>} : memref<4x128x64xf32, #tpu.memory_space<vmem>>, vector<16xf32>,
      %mul3A_872 = arith.mulf %get3A_867, %get3A_871 : vector<16xf32>
      %add3A_873 = arith.addf %mul3A_863, %mul3A_872 : vector<16xf32>
      %get3A_874 = arith.index_cast %select_n3A : i32 to index
      %get3A_875 = arith.index_cast %add3A_854 : i32 to index
      %get3A_876 = arith.constant 32 : index
      %get3A_877 = tpu.vector_load %arg9[%get3A_874, %get3A_875, %get3A_876] {strides = array<i32>} : memref<4x128x64xf32, #tpu.memory_space<vmem>>, vector<16xf32>,
      %get3A_878 = arith.index_cast %select_n3A : i32 to index
      %get3A_879 = arith.index_cast %add3A_854 : i32 to index
      %get3A_880 = arith.constant 32 : index
      %get3A_881 = tpu.vector_load %arg10[%get3A_878, %get3A_879, %get3A_880] {strides = array<i32>} : memref<4x128x64xf32, #tpu.memory_space<vmem>>, vector<16xf32>,
      %mul3A_882 = arith.mulf %get3A_877, %get3A_881 : vector<16xf32>
      %add3A_883 = arith.addf %add3A_873, %mul3A_882 : vector<16xf32>
      %get3A_884 = arith.index_cast %select_n3A : i32 to index
      %get3A_885 = arith.index_cast %add3A_854 : i32 to index
      %get3A_886 = arith.constant 48 : index
      %get3A_887 = tpu.vector_load %arg9[%get3A_884, %get3A_885, %get3A_886] {strides = array<i32>} : memref<4x128x64xf32, #tpu.memory_space<vmem>>, vector<16xf32>,
      %get3A_888 = arith.index_cast %select_n3A : i32 to index
      %get3A_889 = arith.index_cast %add3A_854 : i32 to index
      %get3A_890 = arith.constant 48 : index
      %get3A_891 = tpu.vector_load %arg10[%get3A_888, %get3A_889, %get3A_890] {strides = array<i32>} : memref<4x128x64xf32, #tpu.memory_space<vmem>>, vector<16xf32>,
      %mul3A_892 = arith.mulf %get3A_887, %get3A_891 : vector<16xf32>
      %add3A_893 = arith.addf %add3A_883, %mul3A_892 : vector<16xf32>
      %eq3A_894 = arith.constant 12 : i32
      %eq3A_895 = vector.broadcast %eq3A_894 : i32 to vector<16xi32>
      %eq3A_896 = arith.cmpi eq, %iota3A, %eq3A_895 : vector<16xi32>
      %reduce_sum3A_897 = arith.constant true
      %reduce_sum3A_898 = vector.broadcast %reduce_sum3A_897 : i1 to vector<16xi1>
      %reduce_sum3A_899 = tpu.scan <sum>, %add3A_893 masked %reduce_sum3A_898 : vector<16xf32>, vector<16xi1> -> vector<16xf32>
      %reduce_sum3A_900 = vector.extract %reduce_sum3A_899[15] : f32 from vector<16xf32>
      %broadcast_in_dim3A_901 = vector.broadcast %reduce_sum3A_900 : f32 to vector<16xf32>
      %select_n3A_902 = arith.select %eq3A_896, %broadcast_in_dim3A_901, %select_n3A_852 : vector<16xi1>, vector<16xf32>
      %add3A_903 = arith.constant 13 : i32
      %add3A_904 = arith.addi %mul3A_253, %add3A_903 : i32
      %get3A_905 = arith.index_cast %select_n3A : i32 to index
      %get3A_906 = arith.index_cast %add3A_904 : i32 to index
      %get3A_907 = arith.constant 0 : index
      %get3A_908 = tpu.vector_load %arg9[%get3A_905, %get3A_906, %get3A_907] {strides = array<i32>} : memref<4x128x64xf32, #tpu.memory_space<vmem>>, vector<16xf32>,
      %get3A_909 = arith.index_cast %select_n3A : i32 to index
      %get3A_910 = arith.index_cast %add3A_904 : i32 to index
      %get3A_911 = arith.constant 0 : index
      %get3A_912 = tpu.vector_load %arg10[%get3A_909, %get3A_910, %get3A_911] {strides = array<i32>} : memref<4x128x64xf32, #tpu.memory_space<vmem>>, vector<16xf32>,
      %mul3A_913 = arith.mulf %get3A_908, %get3A_912 : vector<16xf32>
      %get3A_914 = arith.index_cast %select_n3A : i32 to index
      %get3A_915 = arith.index_cast %add3A_904 : i32 to index
      %get3A_916 = arith.constant 16 : index
      %get3A_917 = tpu.vector_load %arg9[%get3A_914, %get3A_915, %get3A_916] {strides = array<i32>} : memref<4x128x64xf32, #tpu.memory_space<vmem>>, vector<16xf32>,
      %get3A_918 = arith.index_cast %select_n3A : i32 to index
      %get3A_919 = arith.index_cast %add3A_904 : i32 to index
      %get3A_920 = arith.constant 16 : index
      %get3A_921 = tpu.vector_load %arg10[%get3A_918, %get3A_919, %get3A_920] {strides = array<i32>} : memref<4x128x64xf32, #tpu.memory_space<vmem>>, vector<16xf32>,
      %mul3A_922 = arith.mulf %get3A_917, %get3A_921 : vector<16xf32>
      %add3A_923 = arith.addf %mul3A_913, %mul3A_922 : vector<16xf32>
      %get3A_924 = arith.index_cast %select_n3A : i32 to index
      %get3A_925 = arith.index_cast %add3A_904 : i32 to index
      %get3A_926 = arith.constant 32 : index
      %get3A_927 = tpu.vector_load %arg9[%get3A_924, %get3A_925, %get3A_926] {strides = array<i32>} : memref<4x128x64xf32, #tpu.memory_space<vmem>>, vector<16xf32>,
      %get3A_928 = arith.index_cast %select_n3A : i32 to index
      %get3A_929 = arith.index_cast %add3A_904 : i32 to index
      %get3A_930 = arith.constant 32 : index
      %get3A_931 = tpu.vector_load %arg10[%get3A_928, %get3A_929, %get3A_930] {strides = array<i32>} : memref<4x128x64xf32, #tpu.memory_space<vmem>>, vector<16xf32>,
      %mul3A_932 = arith.mulf %get3A_927, %get3A_931 : vector<16xf32>
      %add3A_933 = arith.addf %add3A_923, %mul3A_932 : vector<16xf32>
      %get3A_934 = arith.index_cast %select_n3A : i32 to index
      %get3A_935 = arith.index_cast %add3A_904 : i32 to index
      %get3A_936 = arith.constant 48 : index
      %get3A_937 = tpu.vector_load %arg9[%get3A_934, %get3A_935, %get3A_936] {strides = array<i32>} : memref<4x128x64xf32, #tpu.memory_space<vmem>>, vector<16xf32>,
      %get3A_938 = arith.index_cast %select_n3A : i32 to index
      %get3A_939 = arith.index_cast %add3A_904 : i32 to index
      %get3A_940 = arith.constant 48 : index
      %get3A_941 = tpu.vector_load %arg10[%get3A_938, %get3A_939, %get3A_940] {strides = array<i32>} : memref<4x128x64xf32, #tpu.memory_space<vmem>>, vector<16xf32>,
      %mul3A_942 = arith.mulf %get3A_937, %get3A_941 : vector<16xf32>
      %add3A_943 = arith.addf %add3A_933, %mul3A_942 : vector<16xf32>
      %eq3A_944 = arith.constant 13 : i32
      %eq3A_945 = vector.broadcast %eq3A_944 : i32 to vector<16xi32>
      %eq3A_946 = arith.cmpi eq, %iota3A, %eq3A_945 : vector<16xi32>
      %reduce_sum3A_947 = arith.constant true
      %reduce_sum3A_948 = vector.broadcast %reduce_sum3A_947 : i1 to vector<16xi1>
      %reduce_sum3A_949 = tpu.scan <sum>, %add3A_943 masked %reduce_sum3A_948 : vector<16xf32>, vector<16xi1> -> vector<16xf32>
      %reduce_sum3A_950 = vector.extract %reduce_sum3A_949[15] : f32 from vector<16xf32>
      %broadcast_in_dim3A_951 = vector.broadcast %reduce_sum3A_950 : f32 to vector<16xf32>
      %select_n3A_952 = arith.select %eq3A_946, %broadcast_in_dim3A_951, %select_n3A_902 : vector<16xi1>, vector<16xf32>
      %add3A_953 = arith.constant 14 : i32
      %add3A_954 = arith.addi %mul3A_253, %add3A_953 : i32
      %get3A_955 = arith.index_cast %select_n3A : i32 to index
      %get3A_956 = arith.index_cast %add3A_954 : i32 to index
      %get3A_957 = arith.constant 0 : index
      %get3A_958 = tpu.vector_load %arg9[%get3A_955, %get3A_956, %get3A_957] {strides = array<i32>} : memref<4x128x64xf32, #tpu.memory_space<vmem>>, vector<16xf32>,
      %get3A_959 = arith.index_cast %select_n3A : i32 to index
      %get3A_960 = arith.index_cast %add3A_954 : i32 to index
      %get3A_961 = arith.constant 0 : index
      %get3A_962 = tpu.vector_load %arg10[%get3A_959, %get3A_960, %get3A_961] {strides = array<i32>} : memref<4x128x64xf32, #tpu.memory_space<vmem>>, vector<16xf32>,
      %mul3A_963 = arith.mulf %get3A_958, %get3A_962 : vector<16xf32>
      %get3A_964 = arith.index_cast %select_n3A : i32 to index
      %get3A_965 = arith.index_cast %add3A_954 : i32 to index
      %get3A_966 = arith.constant 16 : index
      %get3A_967 = tpu.vector_load %arg9[%get3A_964, %get3A_965, %get3A_966] {strides = array<i32>} : memref<4x128x64xf32, #tpu.memory_space<vmem>>, vector<16xf32>,
      %get3A_968 = arith.index_cast %select_n3A : i32 to index
      %get3A_969 = arith.index_cast %add3A_954 : i32 to index
      %get3A_970 = arith.constant 16 : index
      %get3A_971 = tpu.vector_load %arg10[%get3A_968, %get3A_969, %get3A_970] {strides = array<i32>} : memref<4x128x64xf32, #tpu.memory_space<vmem>>, vector<16xf32>,
      %mul3A_972 = arith.mulf %get3A_967, %get3A_971 : vector<16xf32>
      %add3A_973 = arith.addf %mul3A_963, %mul3A_972 : vector<16xf32>
      %get3A_974 = arith.index_cast %select_n3A : i32 to index
      %get3A_975 = arith.index_cast %add3A_954 : i32 to index
      %get3A_976 = arith.constant 32 : index
      %get3A_977 = tpu.vector_load %arg9[%get3A_974, %get3A_975, %get3A_976] {strides = array<i32>} : memref<4x128x64xf32, #tpu.memory_space<vmem>>, vector<16xf32>,
      %get3A_978 = arith.index_cast %select_n3A : i32 to index
      %get3A_979 = arith.index_cast %add3A_954 : i32 to index
      %get3A_980 = arith.constant 32 : index
      %get3A_981 = tpu.vector_load %arg10[%get3A_978, %get3A_979, %get3A_980] {strides = array<i32>} : memref<4x128x64xf32, #tpu.memory_space<vmem>>, vector<16xf32>,
      %mul3A_982 = arith.mulf %get3A_977, %get3A_981 : vector<16xf32>
      %add3A_983 = arith.addf %add3A_973, %mul3A_982 : vector<16xf32>
      %get3A_984 = arith.index_cast %select_n3A : i32 to index
      %get3A_985 = arith.index_cast %add3A_954 : i32 to index
      %get3A_986 = arith.constant 48 : index
      %get3A_987 = tpu.vector_load %arg9[%get3A_984, %get3A_985, %get3A_986] {strides = array<i32>} : memref<4x128x64xf32, #tpu.memory_space<vmem>>, vector<16xf32>,
      %get3A_988 = arith.index_cast %select_n3A : i32 to index
      %get3A_989 = arith.index_cast %add3A_954 : i32 to index
      %get3A_990 = arith.constant 48 : index
      %get3A_991 = tpu.vector_load %arg10[%get3A_988, %get3A_989, %get3A_990] {strides = array<i32>} : memref<4x128x64xf32, #tpu.memory_space<vmem>>, vector<16xf32>,
      %mul3A_992 = arith.mulf %get3A_987, %get3A_991 : vector<16xf32>
      %add3A_993 = arith.addf %add3A_983, %mul3A_992 : vector<16xf32>
      %eq3A_994 = arith.constant 14 : i32
      %eq3A_995 = vector.broadcast %eq3A_994 : i32 to vector<16xi32>
      %eq3A_996 = arith.cmpi eq, %iota3A, %eq3A_995 : vector<16xi32>
      %reduce_sum3A_997 = arith.constant true
      %reduce_sum3A_998 = vector.broadcast %reduce_sum3A_997 : i1 to vector<16xi1>
      %reduce_sum3A_999 = tpu.scan <sum>, %add3A_993 masked %reduce_sum3A_998 : vector<16xf32>, vector<16xi1> -> vector<16xf32>
      %reduce_sum3A_1000 = vector.extract %reduce_sum3A_999[15] : f32 from vector<16xf32>
      %broadcast_in_dim3A_1001 = vector.broadcast %reduce_sum3A_1000 : f32 to vector<16xf32>
      %select_n3A_1002 = arith.select %eq3A_996, %broadcast_in_dim3A_1001, %select_n3A_952 : vector<16xi1>, vector<16xf32>
      %add3A_1003 = arith.constant 15 : i32
      %add3A_1004 = arith.addi %mul3A_253, %add3A_1003 : i32
      %get3A_1005 = arith.index_cast %select_n3A : i32 to index
      %get3A_1006 = arith.index_cast %add3A_1004 : i32 to index
      %get3A_1007 = arith.constant 0 : index
      %get3A_1008 = tpu.vector_load %arg9[%get3A_1005, %get3A_1006, %get3A_1007] {strides = array<i32>} : memref<4x128x64xf32, #tpu.memory_space<vmem>>, vector<16xf32>,
      %get3A_1009 = arith.index_cast %select_n3A : i32 to index
      %get3A_1010 = arith.index_cast %add3A_1004 : i32 to index
      %get3A_1011 = arith.constant 0 : index
      %get3A_1012 = tpu.vector_load %arg10[%get3A_1009, %get3A_1010, %get3A_1011] {strides = array<i32>} : memref<4x128x64xf32, #tpu.memory_space<vmem>>, vector<16xf32>,
      %mul3A_1013 = arith.mulf %get3A_1008, %get3A_1012 : vector<16xf32>
      %get3A_1014 = arith.index_cast %select_n3A : i32 to index
      %get3A_1015 = arith.index_cast %add3A_1004 : i32 to index
      %get3A_1016 = arith.constant 16 : index
      %get3A_1017 = tpu.vector_load %arg9[%get3A_1014, %get3A_1015, %get3A_1016] {strides = array<i32>} : memref<4x128x64xf32, #tpu.memory_space<vmem>>, vector<16xf32>,
      %get3A_1018 = arith.index_cast %select_n3A : i32 to index
      %get3A_1019 = arith.index_cast %add3A_1004 : i32 to index
      %get3A_1020 = arith.constant 16 : index
      %get3A_1021 = tpu.vector_load %arg10[%get3A_1018, %get3A_1019, %get3A_1020] {strides = array<i32>} : memref<4x128x64xf32, #tpu.memory_space<vmem>>, vector<16xf32>,
      %mul3A_1022 = arith.mulf %get3A_1017, %get3A_1021 : vector<16xf32>
      %add3A_1023 = arith.addf %mul3A_1013, %mul3A_1022 : vector<16xf32>
      %get3A_1024 = arith.index_cast %select_n3A : i32 to index
      %get3A_1025 = arith.index_cast %add3A_1004 : i32 to index
      %get3A_1026 = arith.constant 32 : index
      %get3A_1027 = tpu.vector_load %arg9[%get3A_1024, %get3A_1025, %get3A_1026] {strides = array<i32>} : memref<4x128x64xf32, #tpu.memory_space<vmem>>, vector<16xf32>,
      %get3A_1028 = arith.index_cast %select_n3A : i32 to index
      %get3A_1029 = arith.index_cast %add3A_1004 : i32 to index
      %get3A_1030 = arith.constant 32 : index
      %get3A_1031 = tpu.vector_load %arg10[%get3A_1028, %get3A_1029, %get3A_1030] {strides = array<i32>} : memref<4x128x64xf32, #tpu.memory_space<vmem>>, vector<16xf32>,
      %mul3A_1032 = arith.mulf %get3A_1027, %get3A_1031 : vector<16xf32>
      %add3A_1033 = arith.addf %add3A_1023, %mul3A_1032 : vector<16xf32>
      %get3A_1034 = arith.index_cast %select_n3A : i32 to index
      %get3A_1035 = arith.index_cast %add3A_1004 : i32 to index
      %get3A_1036 = arith.constant 48 : index
      %get3A_1037 = tpu.vector_load %arg9[%get3A_1034, %get3A_1035, %get3A_1036] {strides = array<i32>} : memref<4x128x64xf32, #tpu.memory_space<vmem>>, vector<16xf32>,
      %get3A_1038 = arith.index_cast %select_n3A : i32 to index
      %get3A_1039 = arith.index_cast %add3A_1004 : i32 to index
      %get3A_1040 = arith.constant 48 : index
      %get3A_1041 = tpu.vector_load %arg10[%get3A_1038, %get3A_1039, %get3A_1040] {strides = array<i32>} : memref<4x128x64xf32, #tpu.memory_space<vmem>>, vector<16xf32>,
      %mul3A_1042 = arith.mulf %get3A_1037, %get3A_1041 : vector<16xf32>
      %add3A_1043 = arith.addf %add3A_1033, %mul3A_1042 : vector<16xf32>
      %eq3A_1044 = arith.constant 15 : i32
      %eq3A_1045 = vector.broadcast %eq3A_1044 : i32 to vector<16xi32>
      %eq3A_1046 = arith.cmpi eq, %iota3A, %eq3A_1045 : vector<16xi32>
      %reduce_sum3A_1047 = arith.constant true
      %reduce_sum3A_1048 = vector.broadcast %reduce_sum3A_1047 : i1 to vector<16xi1>
      %reduce_sum3A_1049 = tpu.scan <sum>, %add3A_1043 masked %reduce_sum3A_1048 : vector<16xf32>, vector<16xi1> -> vector<16xf32>
      %reduce_sum3A_1050 = vector.extract %reduce_sum3A_1049[15] : f32 from vector<16xf32>
      %broadcast_in_dim3A_1051 = vector.broadcast %reduce_sum3A_1050 : f32 to vector<16xf32>
      %select_n3A_1052 = arith.select %eq3A_1046, %broadcast_in_dim3A_1051, %select_n3A_1002 : vector<16xi1>, vector<16xf32>
      %neg3A = arith.constant 0.000000e+00 : f32
      %neg3A_1053 = vector.broadcast %neg3A : f32 to vector<16xf32>
      %neg3A_1054 = arith.subf %neg3A_1053, %select_n3A_1052 : vector<16xf32>
      %exp3A = math.exp %neg3A_1054 : vector<16xf32>
      %add3A_1055 = arith.constant 1.000000e+00 : f32
      %add3A_1056 = vector.broadcast %add3A_1055 : f32 to vector<16xf32>
      %add3A_1057 = arith.addf %add3A_1056, %exp3A : vector<16xf32>
      %div3A_1058 = arith.constant 1.000000e+00 : f32
      %div3A_1059 = vector.broadcast %div3A_1058 : f32 to vector<16xf32>
      %div3A_1060 = arith.divf %div3A_1059, %add3A_1057 : vector<16xf32>
      %mul3A_1061 = arith.constant 16 : i32
      %mul3A_1062 = arith.muli %scan3A_221, %mul3A_1061 : i32
      %swap3A = arith.index_cast %mul3A_1062 : i32 to index
      %swap3A_1063 = tpu.vector_load %arg11[%swap3A] {strides = array<i32>} : memref<512xf32, #tpu.memory_space<vmem>>, vector<16xf32>,
      tpu.vector_store %arg11[%swap3A], %div3A_1060 {strides = array<i32>} : memref<512xf32, #tpu.memory_space<vmem>>, vector<16xf32>,
    }
    %scan3A_220 = arith.constant 32 : i32
    "tpu.region"() ({
      %run_scoped3A_221 = tpu.sem_alloc : memref<!tpu.dma_semaphore, #tpu.memory_space<semaphore_mem>>
      %dma_start3A_222 = tpu.memref_slice %arg6[%mul3A_2] : memref<16384xf32, #tpu.memory_space<hbm>> -> memref<512xf32, #tpu.memory_space<hbm>>
      %dma_start3A_223 = tpu.memref_slice %arg6[%mul3A_2] : memref<16384xf32, #tpu.memory_space<hbm>> -> memref<512xf32, #tpu.memory_space<hbm>>
      tpu.enqueue_dma source(%arg11 : memref<512xf32, #tpu.memory_space<vmem>>) target(%dma_start3A_223 : memref<512xf32, #tpu.memory_space<hbm>>) target_semaphore(%run_scoped3A_221 : memref<!tpu.dma_semaphore, #tpu.memory_space<semaphore_mem>>)
      %dma_wait3A_224 = tpu.memref_slice %arg6[%mul3A_2] : memref<16384xf32, #tpu.memory_space<hbm>> -> memref<512xf32, #tpu.memory_space<hbm>>
      %dma_wait3A_225 = tpu.memref_slice %arg6[%mul3A_2] : memref<16384xf32, #tpu.memory_space<hbm>> -> memref<512xf32, #tpu.memory_space<hbm>>
      tpu.wait_dma2 semaphore(%run_scoped3A_221 : memref<!tpu.dma_semaphore, #tpu.memory_space<semaphore_mem>>) src(%arg11 : memref<512xf32, #tpu.memory_space<vmem>>) dst(%dma_wait3A_225 : memref<512xf32, #tpu.memory_space<hbm>>)
      tpu.yield
    }) : () -> ()
    return
  }
}

</mosaic_0001>

<sc_bundles>
// kernel: kernel.3.cloned.1.call-start
scs
__scs_entry_jumppad:
0x0: {  	(pc) =	sbr.rel $0x88, $3  }
0x1: {  	(tag) =	ssettag $0x0;
	lr =	simm.s32 $0x1  }
0x2: {  	[smem:$0x3F9D] =	sst lr;
	_ =	strace $0xD0000000  }
0x3: {  	_ = 	snop  }
0x4: {  	_ = 	snop  }
0x5: {  	_ = 	snop  }
0x6: {  	_ = 	snop  }
0x7: {  	_ = 	snop  }
__scs_overlays_trampoline_lowered:
0x8: {  	[smem:$0x3FAC] =	sst s0  }
0x9: {  	[smem:$0x3FAD] =	sst s1  }
0xa: {  	[smem:$0x3FAE] =	sst s2  }
0xb: {  	[smem:$0x3FAF] =	sst s3  }
0xc: {  	[smem:$0x3FB0] =	sst s4  }
0xd: {  	[smem:$0x3FB1] =	sst s5  }
0xe: {  	[smem:$0x3FB2] =	sst s6  }
0xf: {  	[smem:$0x3FB3] =	sst s7  }
0x10: {  	[smem:$0x3FB4] =	sst s8  }
0x11: {  	[smem:$0x3FB5] =	sst s9;
	s0 =	simm.s32 @!p0 $0x0  }
0x12: {  	s1 =	sld [smem:$0x3F9B];
	s0 =	simm.s32 @p0 $0x1  }
0x13: {  	[smem:$0x3FB6] =	sst s0;
	s0 =	simm.s32 @!p1 $0x0  }
0x14: {  	s2 =	sld [smem:$0x3F9A];
	s0 =	simm.s32 @p1 $0x1  }
0x15: {  	[smem:$0x3FB7] =	sst s0;
	s0 =	simm.s32 @!p2 $0x0  }
0x16: {  	s3 =	sld [smem:$0x3FDB];
	s0 =	simm.s32 @p2 $0x1  }
0x17: {  	s4 =	simm.s32 $0x1BF5;
	[smem:$0x3FB9] =	sst s0  }
0x18: {  	s0 =	sld [smem:$0x3F9C];
	_ =	swait.ge [sflag:s4], $0x0  }
0x19: {  	s7 =	sld [smem:$0x3F9D]  }
0x1a: {  	s8 =	sadd.s32 $0xFFFFE003, lr  }
0x1b: {  	s9 =	sadd.s32 $0xFFFFFEF7, lr;
	s5 =	simm.s32 $0xFFFFFFFF;
	p2 =	slt.u32 s8, $0xFFFFF086  }
0x1c: {  	p1 =	slt.u32 s9, $0xF7A;
	s5 =	simm.s32 @!p2 $0x0  }
0x1d: {  	s5 =	simm.s32 @p1 $0x1;
	p0 =	seq.s32 s7, s2  }
0x1e: {  	s7 =	smul.u32 @!p0 $0xF7A, s2;
	p2 =	seq.s32 @!p0 s5, $0x0  }
0x1f: {  	s9 =	smul.u32 $0xF7A, s1;
	s8 =	simm.s32 @!p0 $0x1BF5;
	p2 =	por !p2, p0  }
0x20: {  	[sflag:s8] =	ssyncset.s32 @!p0 $0xFFFFF086;
	s6 =	sadd.s32 @!p0 s3, s7;
	s7 =	simm.s32 @!p0 $0x108  }
0x21: {  	s3 =	sadd.s32 s3, s9;
	s6 =	sadd.s32 @!p0 $0x88, s6;
	s7 =	simm.s32 @p2 $0x1082  }
0x22: {  	[simem:s7], [sflag:s8] =	dma.local @!p0 [hbm:s6], $0xF7A  }
0x23: {  	s9 =	sor.u32 $0xD0000000, s2;
	s6 =	simm.s32 $0x108;
	_ =	swait.ge @!p0 [sflag:s8], $0x0  }
0x24: {  	s3 =	sadd.s32 $0x88, s3;
	s6 =	simm.s32 @!p1 $0x1082;
	[sflag:s4] =	ssyncset.s32 $0xFFFFF086  }
0x25: {  	[simem:s6], [sflag:s4] =	dma.local [hbm:s3], $0xF7A  }
0x26: {  	[smem:$0x3F9D] =	sst s1;
	(tag) =	ssettag s2;
	_ =	strace s9  }
0x27: {  	s1 =	sld [smem:$0x3FAD]  }
0x28: {  	s2 =	sld [smem:$0x3FAE]  }
0x29: {  	s4 =	sld [smem:$0x3FB0]  }
0x2a: {  	p0 =	seq.s32 s5, $0x0;
	s5 =	sld [smem:$0x3FB1]  }
0x2b: {  	s6 =	sld [smem:$0x3FB2]  }
0x2c: {  	s7 =	sld [smem:$0x3FB3]  }
0x2d: {  	s3 =	simm.s32 $0x108;
	s8 =	sld [smem:$0x3FB4]  }
0x2e: {  	s3 =	simm.s32 @!p0 $0x1082;
	s9 =	sld [smem:$0x3FB5]  }
0x2f: {  	lr =	sadd.s32 s0, s3;
	s0 =	sld [smem:$0x3FAC]  }
0x30: {  	s3 =	sld [smem:$0x3FAF]  }
0x31: {  	[smem:$0x3FB8] =	sst s10  }
0x32: {  	s10 =	sld [smem:$0x3FB6];
	_ =	sdelay $0x3  }
0x33: {  	p0 =	seq.s32 s10, $0x1;
	s10 =	sld [smem:$0x3FB8];
	_ =	sdelay $0x3  }
0x34: {  	[smem:$0x3FB8] =	sst s10  }
0x35: {  	s10 =	sld [smem:$0x3FB7];
	_ =	sdelay $0x3  }
0x36: {  	p1 =	seq.s32 s10, $0x1;
	s10 =	sld [smem:$0x3FB8];
	_ =	sdelay $0x3  }
0x37: {  	[smem:$0x3FB8] =	sst s10  }
0x38: {  	s10 =	sld [smem:$0x3FB9]  }
0x39: {  	_ = 	snop;
	(pc) =	sbr.ind lr, $3  }
0x3a: {  	_ = 	snop  }
0x3b: {  	_ = 	snop  }
0x3c: {  	p2 =	seq.s32 s10, $0x1;
	s10 =	sld [smem:$0x3FB8]  }
0x3d: {  	_ =	shalt  }
0x3e: {  	_ =	shalt  }
0x3f: {  	_ =	shalt  }
0x40: {  	_ =	shalt  }
0x41: {  	_ =	shalt  }
0x42: {  	_ =	shalt  }
0x43: {  	_ =	shalt  }
0x44: {  	_ =	shalt  }
0x45: {  	_ =	shalt  }
0x46: {  	_ =	shalt  }
0x47: {  	_ =	shalt  }
0x48: {  	_ =	shalt  }
0x49: {  	_ =	shalt  }
0x4a: {  	_ =	shalt  }
0x4b: {  	_ =	shalt  }
0x4c: {  	_ =	shalt  }
0x4d: {  	_ =	shalt  }
0x4e: {  	_ =	shalt  }
0x4f: {  	_ =	shalt  }
0x50: {  	_ =	shalt  }
0x51: {  	_ =	shalt  }
0x52: {  	_ =	shalt  }
0x53: {  	_ =	shalt  }
0x54: {  	_ =	shalt  }
0x55: {  	_ =	shalt  }
0x56: {  	_ =	shalt  }
0x57: {  	_ =	shalt  }
0x58: {  	_ =	shalt  }
0x59: {  	_ =	shalt  }
0x5a: {  	_ =	shalt  }
0x5b: {  	_ =	shalt  }
0x5c: {  	_ =	shalt  }
0x5d: {  	_ =	shalt  }
0x5e: {  	_ =	shalt  }
0x5f: {  	_ =	shalt  }
0x60: {  	_ =	shalt  }
0x61: {  	_ =	shalt  }
0x62: {  	_ =	shalt  }
0x63: {  	_ =	shalt  }
0x64: {  	_ =	shalt  }
0x65: {  	_ =	shalt  }
0x66: {  	_ =	shalt  }
0x67: {  	_ =	shalt  }
0x68: {  	_ =	shalt  }
0x69: {  	_ =	shalt  }
0x6a: {  	_ =	shalt  }
0x6b: {  	_ =	shalt  }
0x6c: {  	_ =	shalt  }
0x6d: {  	_ =	shalt  }
0x6e: {  	_ =	shalt  }
0x6f: {  	_ =	shalt  }
0x70: {  	_ =	shalt  }
0x71: {  	_ =	shalt  }
0x72: {  	_ =	shalt  }
0x73: {  	_ =	shalt  }
0x74: {  	_ =	shalt  }
0x75: {  	_ =	shalt  }
0x76: {  	_ =	shalt  }
0x77: {  	_ =	shalt  }
0x78: {  	_ =	shalt  }
0x79: {  	_ =	shalt  }
0x7a: {  	_ =	shalt  }
0x7b: {  	_ =	shalt  }
0x7c: {  	_ =	shalt  }
0x7d: {  	_ =	shalt  }
0x7e: {  	_ =	shalt  }
0x7f: {  	_ =	shalt  }
0x80: {  	_ =	shalt  }
0x81: {  	_ =	shalt  }
0x82: {  	_ =	shalt  }
0x83: {  	_ =	shalt  }
0x84: {  	_ =	shalt  }
0x85: {  	_ =	shalt  }
0x86: {  	_ =	shalt  }
0x87: {  	_ =	shalt  }
.Lfunc_end0:
.L_simem_size_0:
called_computation_lowered:
.L_overlay_start_0:
0x88: {  	s2 =	sld [smem:$0x3FD9]  }
0x89: {  	s3 =	sld [smem:$0x3FFE];
	_ =	sdelay $0x1  }
0x8a: {  	s1 =	srdreg.scid  }
0x8b: {  	s0 =	sand.u32 $0x1, s1  }
0x8c: {  	s17 =	sshll.u32 s0, $0xA;
	s2 =	sadd.s32 s3, s2  }
0x8d: {  	s2 =	sadd.s32 s2, s17  }
0x8e: {  	[smem:$0x3FC4] =	sst s2  }
0x8f: {  	_ = 	snop  }
0x90: {  	s2 =	sld [smem:$0x3FC9]  }
0x91: {  	s18 =	sld [smem:$0x3FC8]  }
0x92: {  	s4 =	sld [smem:$0x3FD0];
	(tm) =	ssettm $0x1  }
0x93: {  	s5 =	sld [smem:$0x3FFB];
	_ =	sdelay $0x3  }
0x94: {  	_ =	strace s5  }
0x95: {  	s5 =	sld [smem:$0x3FFC];
	_ =	sdelay $0x3  }
0x96: {  	_ =	strace s5  }
0x97: {  	s5 =	sld [smem:$0x3FFD];
	_ =	sdelay $0x3  }
0x98: {  	_ =	strace s5  }
0x99: {  	_ =	strace $0x8FFFFFFF  }
0x9a: {  	s19 =	sld [smem:$0x3FDB];
	_ =	sdelay $0x1  }
0x9b: {  	s6 =	simm.s32 $_scs_section_size  }
0x9c: {  	s7 =	simm.s32 $_size__tile_overlayer_lowered;
	s8 =	simm.s32 $_tile_overlayer_lowered  }
0x9d: {  	s22 =	simm.s32 $0x1BFF;
	s21 =	sshll.u32 s8, $0x1;
	s5 =	sadd.s32 s6, s19  }
0x9e: {  	s9 =	simm.s32 $0x0;
	s20 =	sshll.u32 s7, $0x1;
	s7 =	sadd.s32 s21, s5  }
0x9f: {  	[timem:s9], [sflag:s22] =	dma.local [hbm:s7], s20  }
0xa0: {  	_ =	swait.ge [sflag:s22], s20  }
0xa1: {  	s6 =	ssub.s32 $0x0, s20;
	[sflag:s22] =	ssyncset.done $0x0  }
0xa2: {  	[sflag:s22] =	ssyncadd.s32 s6;
	_ =	sdelay $0x1  }
0xa3: {  	s23 =	simm.s32 $0x1B8B  }
0xa4: {  	_ =	swait.ge [sflag:s23], $0x1  }
0xa5: {  	[sflag:s23] =	ssyncset.done $0x0  }
0xa6: {  	s25 =	simm.s32 $0x1B8E;
	s24 =	sld [smem:$0x3FFE];
	[sflag:s23] =	ssyncadd.s32 $0xFFFFFFFF  }
0xa7: {  	s26 =	simm.s32 $execute0_lowered;
	[smem:$0x3FD2] =	sst s25  }
0xa8: {  	s7 =	sshll.u32 s26, $0x1;
	_ =	strace $0x80000046;
	[dreg:$0x1] =	wrdreg $0xFFFFFFFF  }
0xa9: {  	s28 =	simm.s32 $_size_execute0_lowered;
	s5 =	sadd.s32 s5, s7;
	[dreg:$0x0] =	wrdreg $0x0  }
0xaa: {  	s7 =	sshll.u32 s28, $0x1;
	[dreg:$0x2] =	wrdreg s5  }
0xab: {  	[dreg:$0x3] =	wrdreg s7  }
0xac: {  	[dreg:$0x4] =	wrdreg $0xC0  }
0xad: {  	_ =	task [dreg:s9], $0x5FFFF  }
0xae: {  	[dreg:$0x1] =	wrdreg $0xFFFFFFFF  }
0xaf: {  	[dreg:$0x0] =	wrdreg $0x60  }
0xb0: {  	[dreg:$0x2] =	wrdreg s2  }
0xb1: {  	[dreg:$0x3] =	wrdreg s18  }
0xb2: {  	[dreg:$0x4] =	wrdreg s24  }
0xb3: {  	[dreg:$0x5] =	wrdreg s4  }
0xb4: {  	[dreg:$0x6] =	wrdreg $0x9  }
0xb5: {  	_ =	task.clear_ibuf [dreg:s9], $0x7FFFF;
	_ =	strace $0x90000046  }
0xb6: {  	s29 =	simm.s32 $0x9;
	_ =	strace $0x80000048  }
0xb7: {  	_ =	swait.ge [sflag:s29], $0x1  }
0xb8: {  	[sflag:s29] =	ssyncadd.s32 $0xFFFFFFFF  }
0xb9: {  	_ =	strace $0x90000048  }
0xba: {  	_ =	sfence  }
0xbb: {  	s30 =	sld [smem:$0x0];
	_ =	sdelay $0x2  }
0xbc: {  	s31 =	sshll.u32 s1, $0xD;
	s1 =	sshrl.u32 s1, $0x2  }
0xbd: {  	s3 =	sand.u32 $0x4000, s31;
	s1 =	sadd.s32 s1, s30  }
0xbe: {  	s0 =	sor.u32 s3, s0;
	s1 =	sshll.u32 s1, $0x11  }
0xbf: {  	s0 =	sor.u32 s1, s0  }
0xc0: {  	s0 =	sadd.s32 $0x8F2B, s0  }
0xc1: {  	[sflag:s0] =	ssyncadd.remote.s32 $0x1  }
0xc2: {  	_ =	sfence.sel $0xFFFF  }
0xc3: {  	[dreg:$0x0] =	wrdreg $0xFFFFFFFF;
	(pc) =	sbr.abs _section_cstart, $3  }
0xc4: {  	[dreg:$0x1] =	wrdreg $0xFFFFFFFF  }
0xc5: {  	_ =	task.clear_ibuf [dreg:s9], $0x2FFFF;
	_ =	strace $0x9FFFFFFF  }
0xc6: {  	(tm) =	ssettm $0x7FFFFFFF  }
0xc7: {  	_ =	shalt  }
tec
execute0_lowered:
.L_overlay_start_1:
0x0: {  	(tag) =	ssettag $0x1  }
0x1: {  	s0 =	rddreg [dreg:$0x0]  }
0x2: {  	s2 =	rddreg [dreg:$0x1]  }
0x3: {  	s4 =	rddreg [dreg:$0x2]  }
0x4: {  	s13 =	rddreg [dreg:$0x3]  }
0x5: {  	s1 =	simm.s32 $0x0;
	s5 =	srdreg.scid;
	s7 =	stileid.u32  }
0x6: {  	s16 =	simm.s32 $0x200;
	s17 =	simm.s32 $0x80;
	s18 =	simm.s32 $0x280  }
0x7: {  	s19 =	simm.s32 $0x100;
	s20 =	simm.s32 $0x300;
	s21 =	simm.s32 $0x180  }
0x8: {  	s22 =	simm.s32 $0x380;
	s28 =	simm.s32 $0x4400;
	s29 =	simm.s32 $0xC400  }
0x9: {  	s30 =	simm.s32 $0x6400;
	s31 =	simm.s32 $0xE400;
	s23 =	simm.s32 $0x0  }
0xa: {  	[smem:$0x7FF] =	sst s1;
	s3 =	sadd.s32 $0xF42800, s4;
	s5 =	sand.u32 $0x1, s5  }
0xb: {  	s7 =	sshll.u32 s7, $0x7;
	s6 =	ssub.s32 $0x2, s5;
	s5 =	sshll.u32 s5, $0x6  }
0xc: {  	s4 =	sadd.s32 $0x16E3A00, s4;
	s8 =	sshrl.u32 s6, $0x1;
	s14 =	sor.u32 s5, s7  }
0xd: {  	_ =	strace $0x80000047;
	s15 =	ssub.s32 s6, s8;
	s5 =	sadd.s32 s0, s14  }
0xe: {  	vm0 =	vmmov $0x1;
	vm1 =	vmmov $0x3;
	vm2 =	vmmov $0x7;
	s26 =	sor.u32 $0x10, s14;
	s6 =	sadd.s32 s2, s14;
	s10 =	sor.u32 $0x20, s14  }
0xf: {  	vm3 =	vmmov $0xf;
	vm4 =	vmmov $0x1f;
	vm5 =	vmmov $0x3f;
	s12 =	sor.u32 $0x30, s14;
	s13 =	sadd.s32 s13, s14;
	s7 =	sadd.s32 s0, s26  }
0x10: {  	vm6 =	vmmov $0x7f;
	vm7 =	vmmov $0xff;
	vm8 =	vmmov $0x1ff;
	s8 =	sadd.s32 s2, s26;
	s9 =	sadd.s32 s0, s10;
	s10 =	sadd.s32 s2, s10  }
0x11: {  	vm9 =	vmmov $0x3ff;
	vm10 =	vmmov $0x7ff;
	vm11 =	vmmov $0xfff;
	s11 =	sadd.s32 s0, s12;
	s12 =	sadd.s32 s2, s12;
	s14 =	smax.u32 s15, $0x1  }
0x12: {  	vm12 =	vmmov $0x1fff;
	vm13 =	vmmov $0x3fff;
	vm14 =	vmmov $0x7fff;
	s15 =	simm.s32 $0x2;
	s0 =	simm.s32 $0x1;
	s2 =	simm.s32 $0x10400  }
.LBB2_1:
0x13: {  	[tilespmem:s1], [sflag:$0x2] =	stream.linear.gather [hbm4b:s5+s1], $0x80, $0x38;
	[tilespmem:$0x10600] =	vst v63  }
0x14: {  	_ =	swait.ge [sflag:s15], $0x80  }
0x15: {  	[sflag:s15] =	ssyncset.done $0x0  }
0x16: {  	[sflag:s15] =	ssyncadd.s32 $0xFFFFFF80  }
0x17: {  	[tilespmem:s16], [sflag:$0x2] =	stream.linear.gather [hbm4b:s6+s1], $0x80, $0x38;
	[tilespmem:$0x10600] =	vst v63  }
0x18: {  	_ =	swait.ge [sflag:s15], $0x80  }
0x19: {  	[sflag:s15] =	ssyncset.done $0x0  }
0x1a: {  	[sflag:s15] =	ssyncadd.s32 $0xFFFFFF80  }
0x1b: {  	[tilespmem:s17], [sflag:$0x2] =	stream.linear.gather [hbm4b:s7+s1], $0x80, $0x38;
	[tilespmem:$0x10600] =	vst v63  }
0x1c: {  	_ =	swait.ge [sflag:s15], $0x80  }
0x1d: {  	[sflag:s15] =	ssyncset.done $0x0  }
0x1e: {  	[sflag:s15] =	ssyncadd.s32 $0xFFFFFF80  }
0x1f: {  	[tilespmem:s18], [sflag:$0x2] =	stream.linear.gather [hbm4b:s8+s1], $0x80, $0x38;
	[tilespmem:$0x10600] =	vst v63  }
0x20: {  	_ =	swait.ge [sflag:s15], $0x80  }
0x21: {  	[sflag:s15] =	ssyncset.done $0x0  }
0x22: {  	[sflag:s15] =	ssyncadd.s32 $0xFFFFFF80  }
0x23: {  	[tilespmem:s19], [sflag:$0x2] =	stream.linear.gather [hbm4b:s9+s1], $0x80, $0x38;
	[tilespmem:$0x10600] =	vst v63  }
0x24: {  	_ =	swait.ge [sflag:s15], $0x80  }
0x25: {  	[sflag:s15] =	ssyncset.done $0x0  }
0x26: {  	[sflag:s15] =	ssyncadd.s32 $0xFFFFFF80  }
0x27: {  	[tilespmem:s20], [sflag:$0x2] =	stream.linear.gather [hbm4b:s10+s1], $0x80, $0x38;
	[tilespmem:$0x10600] =	vst v63  }
0x28: {  	_ =	swait.ge [sflag:s15], $0x80  }
0x29: {  	[sflag:s15] =	ssyncset.done $0x0  }
0x2a: {  	[sflag:s15] =	ssyncadd.s32 $0xFFFFFF80  }
0x2b: {  	[tilespmem:s21], [sflag:$0x2] =	stream.linear.gather [hbm4b:s11+s1], $0x80, $0x38;
	[tilespmem:$0x10600] =	vst v63  }
0x2c: {  	_ =	swait.ge [sflag:s15], $0x80  }
0x2d: {  	[sflag:s15] =	ssyncset.done $0x0  }
0x2e: {  	[sflag:s15] =	ssyncadd.s32 $0xFFFFFF80  }
0x2f: {  	[tilespmem:s22], [sflag:$0x2] =	stream.linear.gather [hbm4b:s12+s1], $0x80, $0x38;
	[tilespmem:$0x10600] =	vst v63  }
0x30: {  	_ =	swait.ge [sflag:s15], $0x80  }
0x31: {  	[sflag:s15] =	ssyncset.done $0x0  }
0x32: {  	s24 =	simm.s32 $0x400;
	[sflag:s15] =	ssyncadd.s32 $0xFFFFFF80  }
0x33: {  	[tilespmem:s24], [sflag:$0x1] =	stream.indirect.gather [hbm4b:s3+s17], $0x40, s1, s17, $0xb8;
	[tilespmem:$0x10600] =	vst v63  }
0x34: {  	s25 =	simm.s32 $0x8400  }
0x35: {  	[tilespmem:s25], [sflag:$0x1] =	stream.indirect.gather [hbm4b:s4+s17], $0x40, s16, s17, $0xb8;
	[tilespmem:$0x10600] =	vst v63  }
0x36: {  	s26 =	simm.s32 $0x2400  }
0x37: {  	[tilespmem:s26], [sflag:$0x1] =	stream.indirect.gather [hbm4b:s3+s17], $0x40, s17, s17, $0xb8;
	[tilespmem:$0x10600] =	vst v63  }
0x38: {  	s25 =	simm.s32 $0xA400  }
0x39: {  	[tilespmem:s25], [sflag:$0x1] =	stream.indirect.gather [hbm4b:s4+s17], $0x40, s18, s17, $0xb8;
	[tilespmem:$0x10600] =	vst v63  }
0x3a: {  	_ = 	snop  }
0x3b: {  	[tilespmem:s28], [sflag:$0x1] =	stream.indirect.gather [hbm4b:s3+s17], $0x40, s19, s17, $0xb8;
	[tilespmem:$0x10600] =	vst v63  }
0x3c: {  	_ = 	snop  }
0x3d: {  	[tilespmem:s29], [sflag:$0x1] =	stream.indirect.gather [hbm4b:s4+s17], $0x40, s20, s17, $0xb8;
	[tilespmem:$0x10600] =	vst v63  }
0x3e: {  	_ = 	snop  }
0x3f: {  	[tilespmem:s30], [sflag:$0x1] =	stream.indirect.gather [hbm4b:s3+s17], $0x40, s21, s17, $0xb8;
	[tilespmem:$0x10600] =	vst v63  }
0x40: {  	_ = 	snop  }
0x41: {  	[tilespmem:s31], [sflag:$0x1] =	stream.indirect.gather [hbm4b:s4+s17], $0x40, s22, s17, $0xb8;
	[tilespmem:$0x10600] =	vst v63  }
0x42: {  	_ =	swait.ge [sflag:s0], $0x2000  }
0x43: {  	[sflag:s0] =	ssyncset.done $0x0  }
0x44: {  	[sflag:s0] =	ssyncadd.s32 $0xFFFFE000  }
0x45: {  	_ =	swait.ge [sflag:s0], $0x2000  }
0x46: {  	[sflag:s0] =	ssyncset.done $0x0  }
0x47: {  	[sflag:s0] =	ssyncadd.s32 $0xFFFFE000  }
0x48: {  	_ =	swait.ge [sflag:s0], $0x2000  }
0x49: {  	[sflag:s0] =	ssyncset.done $0x0  }
0x4a: {  	[sflag:s0] =	ssyncadd.s32 $0xFFFFE000  }
0x4b: {  	_ =	swait.ge [sflag:s0], $0x2000  }
0x4c: {  	[sflag:s0] =	ssyncset.done $0x0  }
0x4d: {  	[sflag:s0] =	ssyncadd.s32 $0xFFFFE000  }
0x4e: {  	_ =	swait.ge [sflag:s0], $0x2000  }
0x4f: {  	[sflag:s0] =	ssyncset.done $0x0  }
0x50: {  	[sflag:s0] =	ssyncadd.s32 $0xFFFFE000  }
0x51: {  	_ =	swait.ge [sflag:s0], $0x2000  }
0x52: {  	[sflag:s0] =	ssyncset.done $0x0  }
0x53: {  	[sflag:s0] =	ssyncadd.s32 $0xFFFFE000  }
0x54: {  	_ =	swait.ge [sflag:s0], $0x2000  }
0x55: {  	[sflag:s0] =	ssyncset.done $0x0  }
0x56: {  	[sflag:s0] =	ssyncadd.s32 $0xFFFFE000  }
0x57: {  	_ =	swait.ge [sflag:s0], $0x2000  }
0x58: {  	[sflag:s0] =	ssyncset.done $0x0  }
0x59: {  	s26 =	simm.s32 $0x0;
	[sflag:s0] =	ssyncadd.s32 $0xFFFFE000  }
0x5a: {  	v20 =	vld [tilespmem:s26+$0x7B0]  }
0x5b: {  	v21 =	vld [tilespmem:s26+$0x87B0]  }
0x5c: {  	v0 =	vld [tilespmem:s26+$0x7C0]  }
0x5d: {  	v51 =	vld [tilespmem:s26+$0x87C0]  }
0x5e: {  	v52 =	vld [tilespmem:s26+$0x7D0]  }
0x5f: {  	v53 =	vld [tilespmem:s26+$0x87D0]  }
0x60: {  	v22 =	vld [tilespmem:s26+$0x7A0]  }
0x61: {  	v23 =	vld [tilespmem:s26+$0x87A0]  }
0x62: {  	v24 =	vld [tilespmem:s26+$0x730]  }
0x63: {  	v25 =	vld [tilespmem:s26+$0x8730]  }
0x64: {  	v54 =	vld [tilespmem:s26+$0x760]  }
0x65: {  	v26 =	vld [tilespmem:s26+$0x780]  }
0x66: {  	v27 =	vld [tilespmem:s26+$0x8780]  }
0x67: {  	v28 =	vld [tilespmem:s26+$0x790]  }
0x68: {  	v29 =	vld [tilespmem:s26+$0x8790]  }
0x69: {  	v55 =	vld [tilespmem:s26+$0x6F0]  }
0x6a: {  	v56 =	vld [tilespmem:s26+$0x86F0]  }
0x6b: {  	v32 =	vld [tilespmem:s26+$0x720]  }
0x6c: {  	v33 =	vld [tilespmem:s26+$0x8720]  }
0x6d: {  	v57 =	vld [tilespmem:s26+$0x740]  }
0x6e: {  	v58 =	vld [tilespmem:s26+$0x8740]  }
0x6f: {  	v59 =	vld [tilespmem:s26+$0x750]  }
0x70: {  	v60 =	vld [tilespmem:s26+$0x8750]  }
0x71: {  	v34 =	vld [tilespmem:s26+$0x6E0]  }
0x72: {  	v35 =	vld [tilespmem:s26+$0x86E0]  }
0x73: {  	v36 =	vld [tilespmem:s26+$0x700]  }
0x74: {  	v37 =	vld [tilespmem:s26+$0x8700]  }
0x75: {  	v38 =	vld [tilespmem:s26+$0x710]  }
0x76: {  	v39 =	vld [tilespmem:s26+$0x8710]  }
0x77: {  	v40 =	vld [tilespmem:s26+$0x670]  }
0x78: {  	v41 =	vld [tilespmem:s26+$0x8670]  }
0x79: {  	v61 =	vld [tilespmem:s26+$0x6A0]  }
0x7a: {  	v42 =	vld [tilespmem:s26+$0x6C0]  }
0x7b: {  	v43 =	vld [tilespmem:s26+$0x86C0]  }
0x7c: {  	v44 =	vld [tilespmem:s26+$0x6D0]  }
0x7d: {  	v45 =	vld [tilespmem:s26+$0x86D0]  }
0x7e: {  	v46 =	vld [tilespmem:s26+$0x630]  }
0x7f: {  	v47 =	vld [tilespmem:s26+$0x8630]  }
0x80: {  	v48 =	vld [tilespmem:s26+$0x660]  }
0x81: {  	v49 =	vld [tilespmem:s26+$0x8660]  }
0x82: {  	v62 =	vld [tilespmem:s26+$0x680]  }
0x83: {  	v63 =	vld [tilespmem:s26+$0x8680]  }
0x84: {  	v4 =	vld [tilespmem:s26+$0x690]  }
0x85: {  	v5 =	vld [tilespmem:s26+$0x8690]  }
0x86: {  	v50 =	vld [tilespmem:s26+$0x620]  }
0x87: {  	v6 =	vld [tilespmem:s26+$0x5E0]  }
0x88: {  	v13 =	vld [tilespmem:s26+$0x5A0]  }
0x89: {  	v10 =	vld [tilespmem:s26+$0x85A0]  }
0x8a: {  	v7 =	vld [tilespmem:s26+$0x5C0]  }
0x8b: {  	v8 =	vld [tilespmem:s26+$0x85C0]  }
0x8c: {  	v9 =	vld [tilespmem:s26+$0x5D0]  }
0x8d: {  	v11 =	vld [tilespmem:s26+$0x85D0]  }
0x8e: {  	v15 =	vld [tilespmem:s26+$0x560]  }
0x8f: {  	v14 =	vld [tilespmem:s26+$0x8560]  }
0x90: {  	v3 =	vld [tilespmem:s26+$0x580]  }
0x91: {  	v2 =	vld [tilespmem:s26+$0x8580]  }
0x92: {  	v1 =	vld [tilespmem:s26+$0x590]  }
0x93: {  	v17 =	vld [tilespmem:s26+$0x4F0]  }
0x94: {  	v16 =	vld [tilespmem:s26+$0x84F0]  }
0x95: {  	v31 =	vld [tilespmem:s26+$0x4B0]  }
0x96: {  	v30 =	vld [tilespmem:s26+$0x84B0]  }
0x97: {  	v19 =	vld [tilespmem:s26+$0x430]  }
0x98: {  	v18 =	vld [tilespmem:s26+$0x8430]  }
0x99: {  	v12 =	vld [tilespmem:s26+$0x4A0]  }
0x9a: {  	[tilespmem:$0x1FE70] =	vst v51;
	v51 =	vld [tilespmem:s26+$0x8620]  }
0x9b: {  	[tilespmem:$0x1FE80] =	vst v52;
	v52 =	vld [tilespmem:s26+$0x640]  }
0x9c: {  	[tilespmem:$0x1FE90] =	vst v53;
	v53 =	vld [tilespmem:s26+$0x8640]  }
0x9d: {  	[tilespmem:$0x1FE50] =	vst v54;
	v54 =	vld [tilespmem:s26+$0x650]  }
0x9e: {  	[tilespmem:$0x1FD00] =	vst v55;
	v55 =	vld [tilespmem:s26+$0x8650]  }
0x9f: {  	[tilespmem:$0x1FD10] =	vst v56;
	v56 =	vld [tilespmem:s26+$0x5B0]  }
0xa0: {  	[tilespmem:$0x1FE10] =	vst v57;
	v57 =	vld [tilespmem:s26+$0x85B0]  }
0xa1: {  	[tilespmem:$0x1FE20] =	vst v58;
	v58 =	vld [tilespmem:s26+$0x600]  }
0xa2: {  	[tilespmem:$0x1FE30] =	vst v59;
	v59 =	vld [tilespmem:s26+$0x8600]  }
0xa3: {  	[tilespmem:$0x1FE40] =	vst v60;
	v60 =	vld [tilespmem:s26+$0x610]  }
0xa4: {  	[tilespmem:$0x1FE00] =	vst v61;
	v61 =	vld [tilespmem:s26+$0x8610]  }
0xa5: {  	[tilespmem:$0x1FDC0] =	vst v62;
	v62 =	vld [tilespmem:s26+$0x570]  }
0xa6: {  	[tilespmem:$0x1FDD0] =	vst v63;
	v63 =	vld [tilespmem:s26+$0x8570]  }
0xa7: {  	[tilespmem:$0x1FE60] =	vst v0;
	v0 =	vld [tilespmem:s26+$0x8590]  }
0xa8: {  	[tilespmem:$0x1FDE0] =	vst v4;
	v4 =	vld [tilespmem:s26+$0x520]  }
0xa9: {  	[tilespmem:$0x1FD70] =	vst v7;
	v7 =	vld [tilespmem:s26+$0x540]  }
0xaa: {  	[tilespmem:$0x1FDB0] =	vst v6;
	v6 =	vld [tilespmem:s26+$0x8540]  }
0xab: {  	[tilespmem:$0x1FDF0] =	vst v5;
	v5 =	vld [tilespmem:s26+$0x550]  }
0xac: {  	[tilespmem:$0x1FD90] =	vst v9;
	v9 =	vld [tilespmem:s26+$0x4E0]  }
0xad: {  	[tilespmem:$0x1FD80] =	vst v8;
	v8 =	vld [tilespmem:s26+$0x84E0]  }
0xae: {  	[tilespmem:$0x1FDA0] =	vst v11;
	v11 =	vld [tilespmem:s26+$0x500]  }
0xaf: {  	v26 =	vmul.f32 v27, v26;
	v27 =	vmul.f32 v29, v28;
	v28 =	vld [tilespmem:s26+$0x4C0]  }
0xb0: {  	v29 =	vmul.f32 v37, v36;
	v37 =	vld [tilespmem:s26+$0x84C0]  }
0xb1: {  	v22 =	vmul.f32 v23, v22;
	v23 =	vld [tilespmem:s26+$0x4D0]  }
0xb2: {  	v24 =	vmul.f32 v25, v24;
	v25 =	vld [tilespmem:s26+$0x8420]  }
0xb3: {  	v36 =	vmul.f32 v39, v38;
	v39 =	vld [tilespmem:$0x1FD70]  }
0xb4: {  	v20 =	vmul.f32 v21, v20;
	v40 =	vmul.f32 v41, v40;
	v41 =	vld [tilespmem:$0x1FD90]  }
0xb5: {  	v26 =	vadd.f32 v27, v26;
	v21 =	vadd.f32 v36, v29;
	v27 =	vmul.f32 v33, v32;
	v29 =	vld [tilespmem:s26+$0x84D0]  }
0xb6: {  	v33 =	vld [tilespmem:s26+$0x420]  }
0xb7: {  	v21 =	vadd.f32 v27, v21;
	v27 =	vld [tilespmem:s26+$0x480]  }
0xb8: {  	[tilespmem:$0x1FD60] =	vst v4;
	v4 =	vld [tilespmem:s26+$0x8550]  }
0xb9: {  	[tilespmem:$0x1FD20] =	vst v11;
	v11 =	vld [tilespmem:s26+$0x8500]  }
0xba: {  	v22 =	vadd.f32 v22, v26;
	v26 =	vmul.f32 v43, v42;
	v43 =	vmul.f32 v53, v52;
	v52 =	vld [tilespmem:s26+$0x490]  }
0xbb: {  	v53 =	vld [tilespmem:$0x1FD00]  }
0xbc: {  	v42 =	vmul.f32 v45, v44;
	v44 =	vmul.f32 v55, v54;
	v54 =	vld [tilespmem:$0x1FD10]  }
0xbd: {  	v45 =	vmul.f32 v61, v60;
	v60 =	vld [tilespmem:s26+$0x8400]  }
0xbe: {  	v61 =	vld [tilespmem:s26+$0x400]  }
0xbf: {  	v55 =	vmul.f32 v49, v48;
	v48 =	vmul.f32 v14, v15;
	v14 =	vld [tilespmem:s26+$0x450]  }
0xc0: {  	v49 =	vld [tilespmem:s26+$0x8450]  }
0xc1: {  	v21 =	vadd.f32 v24, v21;
	v24 =	vld [tilespmem:s26+$0x8480]  }
0xc2: {  	v20 =	vadd.f32 v20, v22;
	v22 =	vadd.f32 v42, v26;
	v42 =	vld [tilespmem:s26+$0x410]  }
0xc3: {  	v15 =	vmul.f32 v63, v62;
	v62 =	vld [tilespmem:$0x1FD20]  }
0xc4: {  	v26 =	vmul.f32 v35, v34;
	v35 =	vld [tilespmem:s26+$0x5F0]  }
0xc5: {  	v36 =	vld [tilespmem:$0x1FD60]  }
0xc6: {  	v32 =	vadd.f32 v44, v43;
	v43 =	vmul.f32 v10, v13;
	v44 =	vld [tilespmem:s26+$0x8410]  }
0xc7: {  	v13 =	vmul.f32 v29, v23;
	v23 =	vmul.f32 v57, v56;
	v56 =	vld [tilespmem:s26+$0x8520]  }
0xc8: {  	[tilespmem:$0x1FD30] =	vst v11;
	v11 =	vld [tilespmem:s26+$0x510]  }
0xc9: {  	v22 =	vadd.f32 v26, v22;
	v26 =	vmul.f32 v59, v58;
	v58 =	vld [tilespmem:s26+$0x8490]  }
0xca: {  	v59 =	vmul.f32 v51, v50;
	v51 =	vmul.f32 v16, v17;
	v16 =	vld [tilespmem:s26+$0x8460]  }
0xcb: {  	v32 =	vadd.f32 v55, v32;
	v55 =	vmul.f32 v49, v14;
	v14 =	vld [tilespmem:s26+$0x8530]  }
0xcc: {  	v38 =	vmul.f32 v54, v53;
	v26 =	vadd.f32 v45, v26;
	v50 =	vmul.f32 v24, v27;
	v24 =	vld [tilespmem:s26+$0x460]  }
0xcd: {  	v6 =	vmul.f32 v6, v7;
	v4 =	vmul.f32 v4, v5;
	v32 =	vadd.f32 v40, v32;
	[tilespmem:$0x1FD40] =	vst v11;
	v11 =	vld [tilespmem:s26+$0x8510]  }
0xce: {  	(xrf2) =	vadd.scan.msk.f32 $0xffff, v20;
	v40 =	vld [tilespmem:$0x1FD80];
	v38 =	vadd.f32 v38, v22;
	v22 =	vadd.f32 v59, v26;
	v26 =	vmul.f32 v47, v46  }
0xcf: {  	(xrf2) =	vadd.scan.msk.f32 $0xffff, v21;
	v46 =	vld [tilespmem:s26+$0x440];
	v4 =	vadd.f32 v4, v6  }
0xd0: {  	v2 =	vmul.f32 v2, v3;
	v0 =	vmul.f32 v0, v1;
	v45 =	vadd.f32 v26, v22;
	v22 =	vld [tilespmem:s26+$0x8440];
	(xrf2) =	vadd.scan.msk.f32 $0xffff, v38  }
0xd1: {  	v4 =	vadd.f32 v48, v4;
	(xrf2) =	vadd.scan.msk.f32 $0xffff, v32;
	v32 =	vld [tilespmem:$0x1FD40]  }
0xd2: {  	v0 =	vadd.f32 v0, v2;
	[tilespmem:$0x1FD50] =	vst v11;
	v11 =	vld [tilespmem:s26+$0x84A0]  }
0xd3: {  	v47 =	vmul.f32 v37, v28;
	v4 =	vadd.f32 v15, v4;
	v15 =	vld [tilespmem:$0x1FD50]  }
0xd4: {  	v0 =	vadd.f32 v43, v0;
	v37 =	vld [tilespmem:s26+$0x85F0]  }
0xd5: {  	v10 =	vmul.f32 v44, v42;
	v42 =	vld [tilespmem:$0x1FDA0];
	v2 =	vadd.f32 v13, v47;
	v13 =	vmul.f32 v58, v52  }
0xd6: {  	v1 =	vmul.f32 v60, v61;
	v0 =	vadd.f32 v23, v0;
	v47 =	vld [tilespmem:$0x1FDB0]  }
0xd7: {  	v6 =	vadd.f32 v13, v50;
	v13 =	vld [tilespmem:s26+$0x530];
	v54 =	vmul.f32 v22, v46;
	v11 =	vmul.f32 v11, v12  }
0xd8: {  	v1 =	vadd.f32 v10, v1;
	v58 =	vmul.f32 v25, v33;
	v10 =	vmul.f32 v15, v32;
	v15 =	vld [tilespmem:s26+$0x85E0]  }
0xd9: {  	v52 =	vld [tilespmem:s26+$0x8470];
	(xrf2) =	vadd.scan.msk.f32 $0xffff, v45;
	v60 =	vmul.f32 v16, v24;
	v53 =	vadd.f32 v11, v6;
	v6 =	vadd.f32 v55, v54  }
0xda: {  	v61 =	vadd.f32 v58, v1;
	(xrf2) =	vadd.scan.msk.f32 $0xffff, v0;
	v12 =	vld [tilespmem:s26+$0x470]  }
0xdb: {  	v58 =	vld [tilespmem:$0x1FE10];
	(xrf2) =	vadd.scan.msk.f32 $0xffff, v4;
	v4 =	vmul.f32 v40, v39;
	v33 =	vadd.f32 v60, v6;
	v6 =	vmul.f32 v42, v41  }
0xdc: {  	v45 =	vmul.f32 v14, v13;
	v14 =	vld [tilespmem:$0x1FE20]  }
0xdd: {  	v17 =	vld [tilespmem:$0x1FE70];
	v4 =	vadd.f32 v6, v4;
	v6 =	vmul.f32 v15, v47  }
0xde: {  	v63 =	vld [tilespmem:$0x1FD30]  }
0xdf: {  	v5 =	vmul.f32 v37, v35;
	v34 =	vmul.f32 v52, v12;
	v52 =	vld [tilespmem:$0x1FDE0];
	v4 =	vadd.f32 v6, v4  }
0xe0: {  	v15 =	vld [tilespmem:$0x1FE40]  }
0xe1: {  	v4 =	vadd.f32 v5, v4;
	v5 =	vmul.f32 v14, v58;
	v14 =	vld [tilespmem:$0x1FE30]  }
0xe2: {  	v8 =	vmul.f32 v8, v9;
	v12 =	vld [tilespmem:$0x1FDF0]  }
0xe3: {  	v43 =	vld [tilespmem:s26+$0x86A0]  }
0xe4: {  	v48 =	vld [tilespmem:s26+$0x86B0];
	v2 =	vadd.f32 v8, v2  }
0xe5: {  	v57 =	vmul.f32 v30, v31;
	v50 =	vld [tilespmem:$0x1FDC0]  }
0xe6: {  	v59 =	vmul.f32 v18, v19;
	v2 =	vadd.f32 v51, v2;
	v51 =	vld [tilespmem:$0x1FDD0];
	v14 =	vmul.f32 v15, v14  }
0xe7: {  	v1 =	vmul.f32 v63, v62;
	v11 =	vmul.f32 v12, v52;
	v12 =	vld [tilespmem:s26+$0x8760]  }
0xe8: {  	v3 =	vadd.f32 v57, v53;
	v5 =	vadd.f32 v14, v5;
	v14 =	vld [tilespmem:$0x1FE50]  }
0xe9: {  	v0 =	vadd.f32 v59, v61;
	(xrf2) =	vadd.scan.msk.f32 $0xffff, v2;
	v2 =	vmul.f32 v56, v36;
	v55 =	vld [tilespmem:$0x1FE00];
	v1 =	vadd.f32 v10, v1  }
0xea: {  	v62 =	vld [tilespmem:$0x1FE60];
	(xrf2) =	vadd.scan.msk.f32 $0xffff, v3;
	v38 =	vadd.f32 v34, v33  }
0xeb: {  	v46 =	vld [tilespmem:s26+$0x6B0];
	v44 =	vadd.f32 v2, v1;
	(xrf2) =	vadd.scan.msk.f32 $0xffff, v0  }
0xec: {  	v63 =	vld [tilespmem:$0x1FE80];
	v9, _, _ =	vpop (xrf2);
	v1 =	vmul.f32 v51, v50;
	(xrf2) =	vadd.scan.msk.f32 $0xffff, v38  }
0xed: {  	v49, _, _ =	vpop (xrf2);
	v56 =	vld [tilespmem:s26+$0x8770];
	v0 =	vadd.f32 v45, v44;
	v12 =	vmul.f32 v12, v14  }
0xee: {  	v13, _, _ =	vpop (xrf2);
	v53 =	vld [tilespmem:s26+$0x770];
	v8 =	vmul.f32 v43, v55;
	v1 =	vadd.f32 v11, v1  }
0xef: {  	v54, _, _ =	vpop (xrf2);
	(xrf2) =	vadd.scan.msk.f32 $0xffff, v0;
	v5 =	vadd.f32 v12, v5;
	v12 =	vld [tilespmem:$0x1FE90]  }
0xf0: {  	v59 =	vld [tilespmem:s26+$0x87E0];
	v57, _, _ =	vpop (xrf2);
	v2 =	vmul.f32 v48, v46;
	v1 =	vadd.f32 v8, v1  }
0xf1: {  	v16, _, _ =	vpop (xrf2);
	v15 =	vld [tilespmem:s26+$0x7E0]  }
0xf2: {  	v60, _, _ =	vpop (xrf2);
	(xrf2) =	vadd.scan.msk.f32 $0xffff, v4;
	v1 =	vadd.f32 v2, v1;
	v2 =	vmul.f32 v17, v62;
	v17 =	vld [tilespmem:s26+$0x87F0]  }
0xf3: {  	v61, _, _ =	vpop (xrf2);
	v14 =	vld [tilespmem:s26+$0x7F0]  }
0xf4: {  	v6 =	vmul.f32 v56, v53;
	v18, _, _ =	vpop (xrf2);
	v11 =	vmul.f32 v12, v63  }
0xf5: {  	(xrf2) =	vadd.scan.msk.f32 $0xffff, v1;
	v12, _, _ =	vpop (xrf2)  }
0xf6: {  	v33 =	vmul.f32 v59, v15;
	v32 =	vadd.f32 v6, v5;
	v34, _, _ =	vpop (xrf2);
	v2 =	vadd.f32 v11, v2  }
0xf7: {  	v35 =	vbroadcast v12, $0xF;
	v6 =	vbroadcast v34, $0xF  }
0xf8: {  	v36 =	vbroadcast v18, $0xF;
	v37 =	vmul.f32 v17, v14;
	(xrf2) =	vadd.scan.msk.f32 $0xffff, v32;
	v2 =	vadd.f32 v33, v2  }
0xf9: {  	v4 =	vbroadcast v61, $0xF;
	v39, _, _ =	vpop (xrf2);
	v38 =	vsel vm0, v35, v6  }
0xfa: {  	v6 =	vbroadcast v39, $0xF;
	v1 =	vsel vm1, v38, v36;
	v2 =	vadd.f32 v37, v2  }
0xfb: {  	v40 =	vbroadcast v60, $0xF;
	v1 =	vsel vm2, v1, v4  }
0xfc: {  	v41 =	vbroadcast v16, $0xF;
	v42, _, _ =	vpop (xrf2);
	v1 =	vsel vm3, v1, v6;
	(xrf2) =	vadd.scan.msk.f32 $0xffff, v2  }
0xfd: {  	v43 =	vbroadcast v42, $0xF;
	v1 =	vsel vm4, v1, v40  }
0xfe: {  	v0 =	vbroadcast v57, $0xF;
	v1 =	vsel vm5, v1, v41  }
0xff: {  	v44 =	vbroadcast v54, $0xF;
	v45, _, _ =	vpop (xrf2);
	v1 =	vsel vm6, v1, v43  }
0x100: {  	v46 =	vbroadcast v45, $0xF;
	v0 =	vsel vm7, v1, v0  }
0x101: {  	v47 =	vbroadcast v13, $0xF;
	v0 =	vsel vm8, v0, v44  }
0x102: {  	v48 =	vbroadcast v49, $0xF;
	v49, _, _ =	vpop (xrf2);
	v0 =	vsel vm9, v0, v46  }
0x103: {  	v50 =	vbroadcast v49, $0xF;
	v0 =	vsel vm10, v0, v47  }
0x104: {  	v51 =	vbroadcast v9, $0xF;
	v0 =	vsel vm11, v0, v48  }
0x105: {  	v0 =	vsel vm12, v0, v50  }
0x106: {  	v0 =	vsel vm13, v0, v51;
	v52, _, _ =	vpop (xrf2)  }
0x107: {  	v0 =	vsel vm14, v0, v52  }
0x108: {  	v0 =	vsub.f32 $0.0e+00, v0;
	_ =	sdelay $0x1  }
0x109: {  	v0 =	vmul.f32 $1.442695020e+00, v0;
	_ =	sdelay $0x1  }
0x10a: {  	(erf) = vpow2.f32 v0;
	_ =	sdelay $0x8  }
0x10b: {  	v0 =	vpop (erf)  }
0x10c: {  	v0 =	vadd.f32 $1.000000000e+00, v0;
	_ =	sdelay $0x1  }
0x10d: {  	(erf) = vrcp.f32 v0;
	_ =	sdelay $0x8  }
0x10e: {  	v0 =	vpop (erf)  }
0x10f: {  	s24 =	simm.s32 $0x400;
	[tilespmem:s2+$0x0] =	vst v0  }
0x110: {  	v6 =	vld [tilespmem:s24+$0x7B0]  }
0x111: {  	v9 =	vld [tilespmem:s24+$0x87B0]  }
0x112: {  	v0 =	vld [tilespmem:s24+$0x7C0]  }
0x113: {  	v53 =	vld [tilespmem:s24+$0x87C0]  }
0x114: {  	v54 =	vld [tilespmem:s24+$0x7D0]  }
0x115: {  	v55 =	vld [tilespmem:s24+$0x87D0]  }
0x116: {  	v56 =	vld [tilespmem:s24+$0x7A0]  }
0x117: {  	v31 =	vld [tilespmem:s24+$0x87A0]  }
0x118: {  	v11 =	vld [tilespmem:s24+$0x730]  }
0x119: {  	v12 =	vld [tilespmem:s24+$0x8730]  }
0x11a: {  	v57 =	vld [tilespmem:s24+$0x760]  }
0x11b: {  	v26 =	vld [tilespmem:s24+$0x780]  }
0x11c: {  	v32 =	vld [tilespmem:s24+$0x8780]  }
0x11d: {  	v33 =	vld [tilespmem:s24+$0x790]  }
0x11e: {  	v34 =	vld [tilespmem:s24+$0x8790]  }
0x11f: {  	v14 =	vld [tilespmem:s24+$0x6F0]  }
0x120: {  	v23 =	vld [tilespmem:s24+$0x86F0]  }
0x121: {  	v58 =	vld [tilespmem:s24+$0x720]  }
0x122: {  	v63 =	vld [tilespmem:s24+$0x8720]  }
0x123: {  	v59 =	vld [tilespmem:s24+$0x740]  }
0x124: {  	v60 =	vld [tilespmem:s24+$0x8740]  }
0x125: {  	v61 =	vld [tilespmem:s24+$0x750]  }
0x126: {  	v62 =	vld [tilespmem:s24+$0x8750]  }
0x127: {  	v36 =	vld [tilespmem:s24+$0x6E0]  }
0x128: {  	v35 =	vld [tilespmem:s24+$0x86E0]  }
0x129: {  	v43 =	vld [tilespmem:s24+$0x700]  }
0x12a: {  	v44 =	vld [tilespmem:s24+$0x8700]  }
0x12b: {  	v45 =	vld [tilespmem:s24+$0x710]  }
0x12c: {  	v46 =	vld [tilespmem:s24+$0x8710]  }
0x12d: {  	v5 =	vld [tilespmem:s24+$0x670]  }
0x12e: {  	v7 =	vld [tilespmem:s24+$0x8670]  }
0x12f: {  	v4 =	vld [tilespmem:s24+$0x6A0]  }
0x130: {  	v49 =	vld [tilespmem:s24+$0x6C0]  }
0x131: {  	v1 =	vld [tilespmem:s24+$0x86C0]  }
0x132: {  	v2 =	vld [tilespmem:s24+$0x6D0]  }
0x133: {  	v52 =	vld [tilespmem:s24+$0x86D0]  }
0x134: {  	v3 =	vld [tilespmem:s24+$0x630]  }
0x135: {  	v8 =	vld [tilespmem:s24+$0x680]  }
0x136: {  	v10 =	vld [tilespmem:s24+$0x8680]  }
0x137: {  	v37 =	vld [tilespmem:s24+$0x690]  }
0x138: {  	v38 =	vld [tilespmem:s24+$0x8690]  }
0x139: {  	v50 =	vld [tilespmem:s24+$0x620]  }
0x13a: {  	v39 =	vld [tilespmem:s24+$0x8620]  }
0x13b: {  	v13 =	vld [tilespmem:s24+$0x5B0]  }
0x13c: {  	v20 =	vld [tilespmem:s24+$0x85B0]  }
0x13d: {  	v40 =	vld [tilespmem:s24+$0x5E0]  }
0x13e: {  	v48 =	vld [tilespmem:s24+$0x8600]  }
0x13f: {  	v47 =	vld [tilespmem:s24+$0x8610]  }
0x140: {  	v15 =	vld [tilespmem:s24+$0x5C0]  }
0x141: {  	v16 =	vld [tilespmem:s24+$0x85C0]  }
0x142: {  	v17 =	vld [tilespmem:s24+$0x5D0]  }
0x143: {  	v18 =	vld [tilespmem:s24+$0x85D0]  }
0x144: {  	v41 =	vld [tilespmem:s24+$0x560]  }
0x145: {  	v42 =	vld [tilespmem:s24+$0x8560]  }
0x146: {  	v22 =	vld [tilespmem:s24+$0x8580]  }
0x147: {  	v21 =	vld [tilespmem:s24+$0x8590]  }
0x148: {  	v29 =	vld [tilespmem:s24+$0x4F0]  }
0x149: {  	v30 =	vld [tilespmem:s24+$0x84F0]  }
0x14a: {  	v19 =	vld [tilespmem:s24+$0x520]  }
0x14b: {  	v27 =	vld [tilespmem:s24+$0x4B0]  }
0x14c: {  	v28 =	vld [tilespmem:s24+$0x84B0]  }
0x14d: {  	v51 =	vld [tilespmem:s24+$0x4E0]  }
0x14e: {  	v24 =	vld [tilespmem:s24+$0x8500]  }
0x14f: {  	v25 =	vld [tilespmem:s24+$0x510]  }
0x150: {  	[tilespmem:$0x1FF30] =	vst v4;
	v4 =	vld [tilespmem:s24+$0x8630]  }
0x151: {  	[tilespmem:$0x1FFA0] =	vst v58;
	v58 =	vld [tilespmem:s24+$0x660]  }
0x152: {  	[tilespmem:$0x1FEE0] =	vst v57;
	v57 =	vld [tilespmem:s24+$0x8660]  }
0x153: {  	[tilespmem:$0x1FEF0] =	vst v59;
	v59 =	vld [tilespmem:s24+$0x640]  }
0x154: {  	[tilespmem:$0x1FF00] =	vst v60;
	v60 =	vld [tilespmem:s24+$0x8640]  }
0x155: {  	[tilespmem:$0x1FF10] =	vst v61;
	v61 =	vld [tilespmem:s24+$0x650]  }
0x156: {  	[tilespmem:$0x1FF20] =	vst v62;
	v62 =	vld [tilespmem:s24+$0x8650]  }
0x157: {  	[tilespmem:$0x1FEC0] =	vst v54;
	v54 =	vld [tilespmem:s24+$0x600]  }
0x158: {  	[tilespmem:$0x1FEB0] =	vst v53;
	v53 =	vld [tilespmem:s24+$0x610]  }
0x159: {  	[tilespmem:$0x1FF40] =	vst v8;
	v8 =	vld [tilespmem:s24+$0x570]  }
0x15a: {  	[tilespmem:$0x1FF50] =	vst v10;
	v10 =	vld [tilespmem:s24+$0x8570]  }
0x15b: {  	[tilespmem:$0x1FF90] =	vst v56;
	v56 =	vld [tilespmem:s24+$0x5A0]  }
0x15c: {  	[tilespmem:$0x1FED0] =	vst v55;
	v55 =	vld [tilespmem:s24+$0x85A0]  }
0x15d: {  	[tilespmem:$0x1FF70] =	vst v38;
	v38 =	vld [tilespmem:s24+$0x580]  }
0x15e: {  	[tilespmem:$0x1FF60] =	vst v37;
	v37 =	vld [tilespmem:s24+$0x590]  }
0x15f: {  	[tilespmem:$0x1FFD0] =	vst v42;
	v42 =	vld [tilespmem:s24+$0x540]  }
0x160: {  	[tilespmem:$0x1FF80] =	vst v40;
	v40 =	vld [tilespmem:s24+$0x8540]  }
0x161: {  	[tilespmem:$0x1FFC0] =	vst v41;
	v41 =	vld [tilespmem:s24+$0x550]  }
0x162: {  	[tilespmem:$0x1FFB0] =	vst v39;
	v39 =	vld [tilespmem:s24+$0x8550]  }
0x163: {  	[tilespmem:$0x1FFE0] =	vst v51;
	v51 =	vld [tilespmem:s24+$0x84E0]  }
0x164: {  	v32 =	vmul.f32 v32, v26;
	v26 =	vld [tilespmem:s24+$0x8510];
	v43 =	vmul.f32 v44, v43  }
0x165: {  	v44 =	vmul.f32 v46, v45;
	v45 =	vmul.f32 v1, v49;
	v49 =	vld [tilespmem:s24+$0x4D0]  }
0x166: {  	v1 =	vld [tilespmem:s24+$0x480]  }
0x167: {  	v33 =	vmul.f32 v34, v33;
	v34 =	vld [tilespmem:$0x1FF90]  }
0x168: {  	v46 =	vmul.f32 v52, v2;
	v52 =	vld [tilespmem:$0x1FFA0]  }
0x169: {  	v5 =	vmul.f32 v7, v5;
	v7 =	vld [tilespmem:$0x1FFB0]  }
0x16a: {  	[tilespmem:$0x1FEA0] =	vst v0;
	v0 =	vadd.f32 v33, v32;
	v32 =	vld [tilespmem:s24+$0x8430]  }
0x16b: {  	v33 =	vld [tilespmem:s24+$0x4A0]  }
0x16c: {  	v45 =	vadd.f32 v46, v45;
	v46 =	vld [tilespmem:s24+$0x4C0]  }
0x16d: {  	v43 =	vadd.f32 v44, v43;
	v44 =	vld [tilespmem:s24+$0x84C0]  }
0x16e: {  	v6 =	vmul.f32 v9, v6;
	v35 =	vmul.f32 v35, v36;
	[tilespmem:$0x1FFF0] =	vst v51;
	v51 =	vld [tilespmem:s24+$0x500]  }
0x16f: {  	v21 =	vmul.f32 v21, v37;
	v37 =	vld [tilespmem:s24+$0x8400];
	v34 =	vmul.f32 v31, v34  }
0x170: {  	v22 =	vmul.f32 v22, v38;
	v38 =	vld [tilespmem:s24+$0x400];
	v2 =	vmul.f32 v63, v52  }
0x171: {  	v11 =	vmul.f32 v12, v11;
	v39 =	vmul.f32 v39, v41;
	v41 =	vld [tilespmem:s24+$0x8410];
	v0 =	vadd.f32 v34, v0  }
0x172: {  	v35 =	vadd.f32 v35, v45;
	v40 =	vmul.f32 v40, v42;
	v31 =	vld [tilespmem:s24+$0x430];
	v9 =	vadd.f32 v2, v43  }
0x173: {  	v52 =	vmul.f32 v23, v14;
	v63 =	vmul.f32 v57, v58;
	v57 =	vld [tilespmem:$0x1FFC0];
	v0 =	vadd.f32 v6, v0  }
0x174: {  	v58 =	vld [tilespmem:$0x1FFD0];
	v36 =	vadd.f32 v11, v9  }
0x175: {  	v40 =	vadd.f32 v39, v40;
	v39 =	vld [tilespmem:s24+$0x410];
	v45 =	vadd.f32 v52, v35;
	(xrf2) =	vadd.scan.msk.f32 $0xffff, v0  }
0x176: {  	v60 =	vmul.f32 v60, v59;
	v62 =	vmul.f32 v62, v61;
	v34 =	vld [tilespmem:s24+$0x84A0];
	(xrf2) =	vadd.scan.msk.f32 $0xffff, v36  }
0x177: {  	v48 =	vmul.f32 v48, v54;
	v47 =	vmul.f32 v47, v53;
	v43 =	vld [tilespmem:s24+$0x84D0];
	(xrf2) =	vadd.scan.msk.f32 $0xffff, v45  }
0x178: {  	v21 =	vadd.f32 v21, v22;
	v52 =	vld [tilespmem:s24+$0x8480]  }
0x179: {  	v22 =	vmul.f32 v55, v56;
	v6 =	vadd.f32 v47, v48;
	v48 =	vld [tilespmem:s24+$0x490];
	v0 =	vadd.f32 v62, v60  }
0x17a: {  	v9 =	vmul.f32 v7, v50;
	v11 =	vld [tilespmem:s24+$0x8490]  }
0x17b: {  	v21 =	vadd.f32 v22, v21;
	v22 =	vmul.f32 v20, v13;
	v62 =	vld [tilespmem:$0x1FFE0];
	v0 =	vadd.f32 v63, v0  }
0x17c: {  	v56 =	vmul.f32 v4, v3;
	v55 =	vadd.f32 v9, v6;
	v63 =	vld [tilespmem:$0x1FFF0]  }
0x17d: {  	v35 =	vld [tilespmem:s24+$0x420];
	v59 =	vmul.f32 v58, v57;
	v22 =	vadd.f32 v22, v21;
	v0 =	vadd.f32 v5, v0  }
0x17e: {  	v44 =	vmul.f32 v44, v46;
	v36 =	vld [tilespmem:s24+$0x8420];
	v43 =	vmul.f32 v43, v49;
	v42 =	vadd.f32 v56, v55  }
0x17f: {  	v61 =	vmul.f32 v10, v8;
	v60 =	vadd.f32 v59, v40;
	v40 =	vld [tilespmem:s24+$0x440];
	(xrf2) =	vadd.scan.msk.f32 $0xffff, v0;
	v54, _, _ =	vpop (xrf2)  }
0x180: {  	v47 =	vmul.f32 v52, v1;
	v45 =	vadd.f32 v43, v44;
	v43 =	vld [tilespmem:s24+$0x450];
	(xrf2) =	vadd.scan.msk.f32 $0xffff, v42;
	v21, _, _ =	vpop (xrf2)  }
0x181: {  	s25 =	simm.s32 $0x10400;
	s26 =	simm.s32 $0x2000;
	v48 =	vmul.f32 v11, v48;
	v44 =	vadd.f32 v61, v60;
	v46 =	vmul.f32 v63, v62;
	v42 =	vld [tilespmem:s24+$0x8440];
	(xrf2) =	vadd.scan.msk.f32 $0xffff, v22;
	v22, _, _ =	vpop (xrf2)  }
.LBB2_2:
0x182: {  	v49 =	vld [tilespmem:s24+$0x8450]  }
0x183: {  	v9 =	vld [tilespmem:s24+$0x8460]  }
0x184: {  	v10 =	vld [tilespmem:s24+$0x470]  }
0x185: {  	v50 =	vld [tilespmem:s24+$0x8530]  }
0x186: {  	v15 =	vmul.f32 v16, v15;
	v16 =	vmul.f32 v18, v17;
	v17 =	vld [tilespmem:s24+$0x86A0]  }
0x187: {  	v52 =	vld [tilespmem:$0x1FF40]  }
0x188: {  	v1 =	vld [tilespmem:$0x1FF50]  }
0x189: {  	v53 =	vld [tilespmem:$0x1FF60]  }
0x18a: {  	v55 =	vld [tilespmem:$0x1FF70]  }
0x18b: {  	v12 =	vld [tilespmem:s24+$0x8760]  }
0x18c: {  	v56 =	vld [tilespmem:$0x1FF30]  }
0x18d: {  	v57 =	vld [tilespmem:s24+$0x8770]  }
0x18e: {  	v58 =	vld [tilespmem:$0x1FEF0]  }
0x18f: {  	v59 =	vld [tilespmem:$0x1FF00]  }
0x190: {  	v60 =	vld [tilespmem:$0x1FF10]  }
0x191: {  	v61 =	vld [tilespmem:$0x1FF20]  }
0x192: {  	v62 =	vld [tilespmem:$0x1FEE0];
	v45 =	vadd.f32 v46, v45;
	v0 =	vmul.f32 v30, v29;
	v33 =	vmul.f32 v34, v33  }
0x193: {  	v6 =	vadd.f32 v48, v47;
	v30 =	vld [tilespmem:s24+$0x460];
	v7 =	vmul.f32 v37, v38;
	v8 =	vmul.f32 v41, v39  }
0x194: {  	(xrf2) =	vadd.scan.msk.f32 $0xffff, v44;
	v47 =	vld [tilespmem:s24+$0x8520];
	v15 =	vadd.f32 v16, v15;
	v27 =	vmul.f32 v28, v27;
	v11 =	vmul.f32 v36, v35  }
0x195: {  	v44 =	vld [tilespmem:s24+$0x8470];
	v31 =	vmul.f32 v32, v31;
	v0 =	vadd.f32 v0, v45;
	v33 =	vadd.f32 v33, v6  }
0x196: {  	v48 =	vld [tilespmem:s24+$0x530];
	v46 =	vmul.f32 v49, v43;
	v28 =	vadd.f32 v8, v7;
	v45 =	vmul.f32 v42, v40  }
0x197: {  	v16 =	vld [tilespmem:s24+$0x86B0];
	v23 =	vmul.f32 v24, v51;
	v24 =	vmul.f32 v26, v25;
	v29, _, _ =	vpop (xrf2);
	(xrf2) =	vadd.scan.msk.f32 $0xffff, v0;
	v27 =	vadd.f32 v27, v33  }
0x198: {  	v25 =	vld [tilespmem:s24+$0x85E0];
	v28 =	vadd.f32 v11, v28;
	v49 =	vadd.f32 v46, v45;
	v30 =	vmul.f32 v9, v30  }
0x199: {  	v51 =	vld [tilespmem:$0x1FF80];
	v23 =	vadd.f32 v24, v23;
	v20 =	vmul.f32 v47, v19  }
0x19a: {  	v24 =	vld [tilespmem:s24+$0x85F0];
	v39, _, _ =	vpop (xrf2);
	(xrf2) =	vadd.scan.msk.f32 $0xffff, v27;
	v27 =	vadd.f32 v31, v28;
	v28 =	vadd.f32 v30, v49;
	v30 =	vmul.f32 v44, v10  }
0x19b: {  	v31 =	vld [tilespmem:s24+$0x5F0]  }
0x19c: {  	v32 =	vld [tilespmem:$0x1FEB0];
	v20 =	vadd.f32 v20, v23;
	v23 =	vmul.f32 v50, v48;
	v26, _, _ =	vpop (xrf2);
	(xrf2) =	vadd.scan.msk.f32 $0xffff, v27;
	v27 =	vadd.f32 v30, v28  }
0x19d: {  	v35 =	vld [tilespmem:$0x1FEC0];
	v11 =	vmul.f32 v55, v53;
	v10 =	vmul.f32 v1, v52  }
0x19e: {  	v14 =	vmul.f32 v25, v51;
	v18, _, _ =	vpop (xrf2);
	v28 =	vld [tilespmem:s24+$0x6B0];
	(xrf2) =	vadd.scan.msk.f32 $0xffff, v27  }
0x19f: {  	v36 =	vld [tilespmem:$0x1FED0];
	v9 =	vmul.f32 v17, v56;
	v20 =	vadd.f32 v23, v20;
	v10 =	vadd.f32 v11, v10  }
0x1a0: {  	v23 =	vld [tilespmem:s24+$0x770];
	v14 =	vadd.f32 v14, v15;
	v15 =	vmul.f32 v24, v31  }
0x1a1: {  	v9 =	vadd.f32 v9, v10;
	v10 =	vld [tilespmem:$0x1FEA0];
	v13, _, _ =	vpop (xrf2);
	(xrf2) =	vadd.scan.msk.f32 $0xffff, v20  }
0x1a2: {  	v5 =	vmul.f32 v59, v58;
	v6 =	vmul.f32 v61, v60;
	v7 =	vld [tilespmem:s24+$0x7E0];
	v14 =	vadd.f32 v15, v14  }
0x1a3: {  	v15 =	vld [tilespmem:s24+$0x87E0];
	v16 =	vmul.f32 v16, v28  }
0x1a4: {  	v63 =	vld [tilespmem:s24+$0x7F0];
	v4 =	vmul.f32 v12, v62;
	v5 =	vadd.f32 v6, v5;
	v8, _, _ =	vpop (xrf2);
	(xrf2) =	vadd.scan.msk.f32 $0xffff, v14  }
0x1a5: {  	v3 =	vld [tilespmem:s24+$0x87F0];
	v0 =	vmul.f32 v36, v35;
	v9 =	vadd.f32 v16, v9  }
0x1a6: {  	v12 =	vadd.f32 v4, v5;
	v34 =	vmul.f32 v57, v23;
	v2 =	vmul.f32 v32, v10  }
0x1a7: {  	v33, _, _ =	vpop (xrf2);
	(xrf2) =	vadd.scan.msk.f32 $0xffff, v9  }
0x1a8: {  	v37 =	vadd.f32 v34, v12;
	v0 =	vadd.f32 v0, v2;
	v38 =	vmul.f32 v15, v7;
	v40, _, _ =	vpop (xrf2)  }
0x1a9: {  	v41 =	vbroadcast v33, $0xF;
	v42 =	vbroadcast v40, $0xF  }
0x1aa: {  	v44 =	vmul.f32 v3, v63;
	v43 =	vbroadcast v8, $0xF;
	v0 =	vadd.f32 v38, v0;
	(xrf2) =	vadd.scan.msk.f32 $0xffff, v37  }
0x1ab: {  	v46 =	vbroadcast v13, $0xF;
	v45 =	vsel vm0, v41, v42;
	v47, _, _ =	vpop (xrf2)  }
0x1ac: {  	v0 =	vadd.f32 v44, v0;
	v1 =	vsel vm1, v45, v43;
	v48 =	vbroadcast v47, $0xF  }
0x1ad: {  	v49 =	vbroadcast v18, $0xF;
	v1 =	vsel vm2, v1, v46  }
0x1ae: {  	v50 =	vbroadcast v26, $0xF;
	v51, _, _ =	vpop (xrf2);
	(xrf2) =	vadd.scan.msk.f32 $0xffff, v0;
	v1 =	vsel vm3, v1, v48  }
0x1af: {  	v53 =	vbroadcast v51, $0xF;
	v52 =	vsel vm4, v1, v49  }
0x1b0: {  	v55 =	vbroadcast v39, $0xF;
	v0 =	vsel vm5, v52, v50  }
0x1b1: {  	v56 =	vbroadcast v29, $0xF;
	v57, _, _ =	vpop (xrf2);
	v0 =	vsel vm6, v0, v53  }
0x1b2: {  	v58 =	vbroadcast v57, $0xF;
	v0 =	vsel vm7, v0, v55  }
0x1b3: {  	v59 =	vbroadcast v22, $0xF;
	v0 =	vsel vm8, v0, v56  }
0x1b4: {  	v60 =	vbroadcast v21, $0xF;
	v61, _, _ =	vpop (xrf2);
	v0 =	vsel vm9, v0, v58  }
0x1b5: {  	v3 =	vbroadcast v61, $0xF;
	v0 =	vsel vm10, v0, v59  }
0x1b6: {  	v62 =	vbroadcast v54, $0xF;
	v0 =	vsel vm11, v0, v60  }
0x1b7: {  	v0 =	vsel vm12, v0, v3  }
0x1b8: {  	v63, _, _ =	vpop (xrf2);
	v0 =	vsel vm13, v0, v62  }
0x1b9: {  	v0 =	vsel vm14, v0, v63  }
0x1ba: {  	v0 =	vsub.f32 $0.0e+00, v0;
	_ =	sdelay $0x1  }
0x1bb: {  	v0 =	vmul.f32 $1.442695020e+00, v0;
	_ =	sdelay $0x1  }
0x1bc: {  	(erf) = vpow2.f32 v0;
	_ =	sdelay $0x8  }
0x1bd: {  	v0 =	vpop (erf)  }
0x1be: {  	v0 =	vadd.f32 $1.000000000e+00, v0;
	_ =	sdelay $0x1  }
0x1bf: {  	(erf) = vrcp.f32 v0;
	_ =	sdelay $0x8  }
0x1c0: {  	s25 =	sadd.s32 $0x10, s25;
	v0 =	vpop (erf)  }
0x1c1: {  	s24 =	sshra.s32 s26, $0x2;
	[tilespmem:s25+$0x0] =	vst v0  }
0x1c2: {  	v0 =	vld [tilespmem:s24+$0x7B0]  }
0x1c3: {  	v21 =	vld [tilespmem:s24+$0x87B0]  }
0x1c4: {  	v4 =	vld [tilespmem:s24+$0x7C0]  }
0x1c5: {  	v5 =	vld [tilespmem:s24+$0x87C0]  }
0x1c6: {  	v6 =	vld [tilespmem:s24+$0x7D0]  }
0x1c7: {  	v7 =	vld [tilespmem:s24+$0x87D0]  }
0x1c8: {  	v26 =	vld [tilespmem:s24+$0x7A0]  }
0x1c9: {  	v31 =	vld [tilespmem:s24+$0x87A0]  }
0x1ca: {  	v35 =	vld [tilespmem:s24+$0x730]  }
0x1cb: {  	v37 =	vld [tilespmem:s24+$0x8730]  }
0x1cc: {  	v8 =	vld [tilespmem:s24+$0x760]  }
0x1cd: {  	v24 =	vld [tilespmem:s24+$0x780]  }
0x1ce: {  	v25 =	vld [tilespmem:s24+$0x8780]  }
0x1cf: {  	v32 =	vld [tilespmem:s24+$0x790]  }
0x1d0: {  	v48 =	vld [tilespmem:s24+$0x8790]  }
0x1d1: {  	v9 =	vld [tilespmem:s24+$0x6F0]  }
0x1d2: {  	v22 =	vld [tilespmem:s24+$0x86F0]  }
0x1d3: {  	v33 =	vld [tilespmem:s24+$0x720]  }
0x1d4: {  	v34 =	vld [tilespmem:s24+$0x8720]  }
0x1d5: {  	v10 =	vld [tilespmem:s24+$0x740]  }
0x1d6: {  	v11 =	vld [tilespmem:s24+$0x8740]  }
0x1d7: {  	v36 =	vld [tilespmem:s24+$0x750]  }
0x1d8: {  	v38 =	vld [tilespmem:s24+$0x8750]  }
0x1d9: {  	v43 =	vld [tilespmem:s24+$0x6E0]  }
0x1da: {  	v46 =	vld [tilespmem:s24+$0x86E0]  }
0x1db: {  	v53 =	vld [tilespmem:s24+$0x700]  }
0x1dc: {  	v54 =	vld [tilespmem:s24+$0x8700]  }
0x1dd: {  	v55 =	vld [tilespmem:s24+$0x710]  }
0x1de: {  	v56 =	vld [tilespmem:s24+$0x8710]  }
0x1df: {  	v39 =	vld [tilespmem:s24+$0x670]  }
0x1e0: {  	v41 =	vld [tilespmem:s24+$0x8670]  }
0x1e1: {  	v40 =	vld [tilespmem:s24+$0x6A0]  }
0x1e2: {  	v57 =	vld [tilespmem:s24+$0x6C0]  }
0x1e3: {  	v58 =	vld [tilespmem:s24+$0x86C0]  }
0x1e4: {  	v59 =	vld [tilespmem:s24+$0x6D0]  }
0x1e5: {  	v60 =	vld [tilespmem:s24+$0x86D0]  }
0x1e6: {  	v42 =	vld [tilespmem:s24+$0x630]  }
0x1e7: {  	v44 =	vld [tilespmem:s24+$0x8630]  }
0x1e8: {  	v52 =	vld [tilespmem:s24+$0x8660]  }
0x1e9: {  	v45 =	vld [tilespmem:s24+$0x680]  }
0x1ea: {  	v47 =	vld [tilespmem:s24+$0x8680]  }
0x1eb: {  	v49 =	vld [tilespmem:s24+$0x690]  }
0x1ec: {  	v50 =	vld [tilespmem:s24+$0x8690]  }
0x1ed: {  	v61 =	vld [tilespmem:s24+$0x640]  }
0x1ee: {  	v62 =	vld [tilespmem:s24+$0x8640]  }
0x1ef: {  	v63 =	vld [tilespmem:s24+$0x650]  }
0x1f0: {  	v51 =	vld [tilespmem:s24+$0x5E0]  }
0x1f1: {  	v1 =	vld [tilespmem:s24+$0x600]  }
0x1f2: {  	v2 =	vld [tilespmem:s24+$0x8600]  }
0x1f3: {  	v3 =	vld [tilespmem:s24+$0x610]  }
0x1f4: {  	v23 =	vld [tilespmem:s24+$0x85C0]  }
0x1f5: {  	v12 =	vld [tilespmem:s24+$0x8590]  }
0x1f6: {  	v29 =	vld [tilespmem:s24+$0x4F0]  }
0x1f7: {  	v30 =	vld [tilespmem:s24+$0x84F0]  }
0x1f8: {  	v19 =	vld [tilespmem:s24+$0x520]  }
0x1f9: {  	v13 =	vld [tilespmem:s24+$0x540]  }
0x1fa: {  	v14 =	vld [tilespmem:s24+$0x8540]  }
0x1fb: {  	v15 =	vld [tilespmem:s24+$0x550]  }
0x1fc: {  	v16 =	vld [tilespmem:s24+$0x8550]  }
0x1fd: {  	v27 =	vld [tilespmem:s24+$0x4B0]  }
0x1fe: {  	v28 =	vld [tilespmem:s24+$0x84B0]  }
0x1ff: {  	v17 =	vld [tilespmem:s24+$0x4E0]  }
0x200: {  	v18 =	vld [tilespmem:s24+$0x84E0]  }
0x201: {  	[tilespmem:$0x1FF10] =	vst v36;
	v36 =	vld [tilespmem:s24+$0x660]  }
0x202: {  	[tilespmem:$0x1FF60] =	vst v49;
	v49 =	vld [tilespmem:s24+$0x620]  }
0x203: {  	[tilespmem:$0x1FF20] =	vst v38;
	v38 =	vld [tilespmem:s24+$0x8620]  }
0x204: {  	[tilespmem:$0x1FCB0] =	vst v0;
	v0 =	vld [tilespmem:s24+$0x8650]  }
0x205: {  	[tilespmem:$0x1FF30] =	vst v40;
	v40 =	vld [tilespmem:s24+$0x5B0]  }
0x206: {  	[tilespmem:$0x1FCD0] =	vst v39;
	v39 =	vld [tilespmem:s24+$0x85B0]  }
0x207: {  	[tilespmem:$0x1FEA0] =	vst v4;
	v4 =	vld [tilespmem:s24+$0x8610]  }
0x208: {  	[tilespmem:$0x1FCE0] =	vst v42;
	v42 =	vld [tilespmem:s24+$0x570]  }
0x209: {  	[tilespmem:$0x1FF40] =	vst v45;
	v45 =	vld [tilespmem:s24+$0x8570]  }
0x20a: {  	[tilespmem:$0x1FEB0] =	vst v5;
	v5 =	vld [tilespmem:s24+$0x5A0]  }
0x20b: {  	[tilespmem:$0x1FEC0] =	vst v6;
	v6 =	vld [tilespmem:s24+$0x85A0]  }
0x20c: {  	[tilespmem:$0x1FF70] =	vst v50;
	v50 =	vld [tilespmem:s24+$0x5C0]  }
0x20d: {  	[tilespmem:$0x1FF50] =	vst v47;
	v47 =	vld [tilespmem:s24+$0x5D0]  }
0x20e: {  	[tilespmem:$0x1FCF0] =	vst v44;
	v44 =	vld [tilespmem:s24+$0x85D0]  }
0x20f: {  	[tilespmem:$0x1FED0] =	vst v7;
	v7 =	vld [tilespmem:s24+$0x560]  }
0x210: {  	[tilespmem:$0x1FEE0] =	vst v8;
	v8 =	vld [tilespmem:s24+$0x8560]  }
0x211: {  	[tilespmem:$0x1FCC0] =	vst v9;
	v9 =	vld [tilespmem:s24+$0x580]  }
0x212: {  	[tilespmem:$0x1FEF0] =	vst v10;
	v10 =	vld [tilespmem:s24+$0x8580]  }
0x213: {  	[tilespmem:$0x1FF00] =	vst v11;
	v11 =	vld [tilespmem:s24+$0x590]  }
0x214: {  	[tilespmem:$0x1FF80] =	vst v51;
	v51 =	vld [tilespmem:s24+$0x500]  }
0x215: {  	v20 =	vmul.f32 v25, v24;
	v24 =	vld [tilespmem:s24+$0x8500]  }
0x216: {  	v32 =	vmul.f32 v48, v32;
	v25 =	vld [tilespmem:s24+$0x510]  }
0x217: {  	v48 =	vmul.f32 v54, v53;
	v53 =	vmul.f32 v56, v55;
	v56 =	vld [tilespmem:$0x1FCB0]  }
0x218: {  	v60 =	vmul.f32 v60, v59;
	v59 =	vld [tilespmem:$0x1FCC0]  }
0x219: {  	v43 =	vmul.f32 v46, v43;
	v46 =	vld [tilespmem:$0x1FCF0]  }
0x21a: {  	v20 =	vadd.f32 v32, v20;
	v32 =	vmul.f32 v31, v26;
	v26 =	vld [tilespmem:s24+$0x8510]  }
0x21b: {  	v58 =	vmul.f32 v58, v57;
	v31 =	vld [tilespmem:s24+$0x430]  }
0x21c: {  	v48 =	vadd.f32 v53, v48;
	v53 =	vmul.f32 v34, v33;
	v33 =	vld [tilespmem:s24+$0x4A0]  }
0x21d: {  	v34 =	vld [tilespmem:s24+$0x84A0];
	v57 =	vadd.f32 v60, v58  }
0x21e: {  	v20 =	vadd.f32 v32, v20;
	v32 =	vld [tilespmem:s24+$0x8430]  }
0x21f: {  	v35 =	vmul.f32 v37, v35;
	v37 =	vadd.f32 v43, v57;
	v43 =	vld [tilespmem:s24+$0x84D0]  }
0x220: {  	v60 =	vmul.f32 v52, v36;
	v36 =	vld [tilespmem:s24+$0x8420];
	v21 =	vmul.f32 v21, v56  }
0x221: {  	v58 =	vmul.f32 v62, v61;
	v0 =	vmul.f32 v0, v63;
	v63 =	vld [tilespmem:$0x1FCD0]  }
0x222: {  	v61 =	vmul.f32 v4, v3;
	v3 =	vld [tilespmem:s24+$0x8480];
	v20 =	vadd.f32 v21, v20;
	v21 =	vadd.f32 v53, v48  }
0x223: {  	v22 =	vmul.f32 v22, v59;
	v59 =	vmul.f32 v39, v40;
	v39 =	vld [tilespmem:s24+$0x410]  }
0x224: {  	v40 =	vld [tilespmem:s24+$0x440];
	v21 =	vadd.f32 v35, v21  }
0x225: {  	v48 =	vld [tilespmem:s24+$0x4C0];
	v62 =	vadd.f32 v22, v37;
	(xrf2) =	vadd.scan.msk.f32 $0xffff, v20  }
0x226: {  	v53 =	vld [tilespmem:s24+$0x4D0];
	(xrf2) =	vadd.scan.msk.f32 $0xffff, v21  }
0x227: {  	v0 =	vadd.f32 v0, v58;
	v4 =	vmul.f32 v41, v63;
	v41 =	vld [tilespmem:$0x1FCE0];
	(xrf2) =	vadd.scan.msk.f32 $0xffff, v62  }
0x228: {  	v1 =	vmul.f32 v2, v1;
	v9 =	vmul.f32 v10, v9;
	v22 =	vld [tilespmem:s24+$0x480]  }
0x229: {  	v37 =	vmul.f32 v38, v49;
	v38 =	vmul.f32 v12, v11;
	v0 =	vadd.f32 v60, v0;
	v20 =	vld [tilespmem:s24+$0x84C0]  }
0x22a: {  	v57 =	vmul.f32 v16, v15;
	v5 =	vmul.f32 v6, v5;
	v1 =	vadd.f32 v61, v1;
	v11 =	vld [tilespmem:s24+$0x8490]  }
0x22b: {  	v49 =	vmul.f32 v14, v13;
	v35 =	vld [tilespmem:s24+$0x420];
	v9 =	vadd.f32 v38, v9;
	v0 =	vadd.f32 v4, v0  }
0x22c: {  	p0 =	sne.s32 s26, $0x1F000;
	v16 =	vmovc v23;
	v60 =	vmul.f32 v8, v7;
	v1 =	vadd.f32 v37, v1;
	v4 =	vld [tilespmem:s24+$0x490];
	v2 =	vmul.f32 v46, v41  }
.Ltmp0:
0x22d: {  	v37 =	vld [tilespmem:s24+$0x8400];
	v63 =	vmul.f32 v45, v42;
	v58 =	vadd.f32 v5, v9;
	(xrf2) =	vadd.scan.msk.f32 $0xffff, v0;
	v0 =	vadd.f32 v57, v49;
	(pc) =	sbr.rel @p0 .LBB2_2-.Ltmp0, $4  }
0x22e: {  	v15 =	vmovc v50;
	v38 =	vld [tilespmem:s24+$0x400];
	v62 =	vmul.f32 v43, v53;
	v61 =	vmul.f32 v20, v48;
	v1 =	vadd.f32 v2, v1  }
0x22f: {  	v42 =	vld [tilespmem:s24+$0x8440];
	v46 =	vmul.f32 v18, v17;
	v0 =	vadd.f32 v60, v0;
	v2 =	vadd.f32 v59, v58;
	v54, _, _ =	vpop (xrf2)  }
0x230: {  	v43 =	vld [tilespmem:s24+$0x450];
	v18 =	vmov v44;
	v17 =	vmov v47;
	v47 =	vmul.f32 v3, v22;
	(xrf2) =	vadd.scan.msk.f32 $0xffff, v1;
	v21, _, _ =	vpop (xrf2)  }
0x231: {  	s26 =	sadd.s32 $0x1000, s26;
	v41 =	vld [tilespmem:s24+$0x8410];
	v45 =	vadd.f32 v62, v61;
	v48 =	vmul.f32 v11, v4;
	v44 =	vadd.f32 v63, v0;
	(xrf2) =	vadd.scan.msk.f32 $0xffff, v2;
	v22, _, _ =	vpop (xrf2)  }
0x232: {  	v0 =	vld [tilespmem:s24+$0x8450]  }
0x233: {  	v1 =	vld [tilespmem:s24+$0x460]  }
0x234: {  	v4 =	vld [tilespmem:s24+$0x8460]  }
0x235: {  	v7 =	vld [tilespmem:s24+$0x470]  }
0x236: {  	v6 =	vmul.f32 v34, v33;
	v33 =	vld [tilespmem:s24+$0x8470]  }
0x237: {  	v10 =	vld [tilespmem:s24+$0x8520]  }
0x238: {  	v12 =	vld [tilespmem:s24+$0x530]  }
0x239: {  	v14 =	vld [tilespmem:s24+$0x85E0]  }
0x23a: {  	v50 =	vld [tilespmem:s24+$0x86A0]  }
0x23b: {  	v52 =	vld [tilespmem:s24+$0x6B0]  }
0x23c: {  	v53 =	vld [tilespmem:$0x1FF80]  }
0x23d: {  	v55 =	vld [tilespmem:s24+$0x86B0]  }
0x23e: {  	v57 =	vld [tilespmem:$0x1FF40]  }
0x23f: {  	v58 =	vld [tilespmem:$0x1FF50]  }
0x240: {  	v59 =	vld [tilespmem:$0x1FF60]  }
0x241: {  	v60 =	vld [tilespmem:$0x1FF70]  }
0x242: {  	v61 =	vld [tilespmem:s24+$0x8760]  }
0x243: {  	v3 =	vmul.f32 v30, v29;
	v11 =	vmul.f32 v28, v27;
	v62 =	vld [tilespmem:s24+$0x770]  }
0x244: {  	v13 =	vmul.f32 v32, v31;
	v49 =	vmul.f32 v18, v17;
	v17 =	vld [tilespmem:$0x1FF30]  }
0x245: {  	v18 =	vld [tilespmem:s24+$0x8770];
	v2 =	vadd.f32 v46, v45;
	v8 =	vmul.f32 v37, v38;
	v9 =	vmul.f32 v41, v39  }
0x246: {  	v20 =	vld [tilespmem:$0x1FEF0];
	v5 =	vadd.f32 v48, v47;
	v34 =	vmul.f32 v42, v40;
	v0 =	vmul.f32 v0, v43  }
0x247: {  	v23 =	vld [tilespmem:$0x1FF00];
	v37 =	vmul.f32 v36, v35;
	v40 =	vmul.f32 v24, v51;
	v8 =	vadd.f32 v9, v8  }
0x248: {  	v38 =	vld [tilespmem:s24+$0x8530];
	v5 =	vadd.f32 v6, v5;
	v1 =	vmul.f32 v4, v1;
	v0 =	vadd.f32 v0, v34  }
0x249: {  	v31 =	vld [tilespmem:$0x1FEE0];
	v2 =	vadd.f32 v3, v2;
	v41 =	vmul.f32 v26, v25;
	v39 =	vadd.f32 v37, v8  }
0x24a: {  	(xrf2) =	vadd.scan.msk.f32 $0xffff, v44;
	v47 =	vld [tilespmem:s24+$0x85F0];
	v5 =	vadd.f32 v11, v5;
	v42 =	vmul.f32 v33, v7;
	v0 =	vadd.f32 v1, v0  }
0x24b: {  	v43 =	vld [tilespmem:s24+$0x5F0];
	(xrf2) =	vadd.scan.msk.f32 $0xffff, v2;
	v46 =	vmul.f32 v10, v19;
	v45 =	vadd.f32 v41, v40;
	v44 =	vadd.f32 v13, v39  }
0x24c: {  	v48 =	vmul.f32 v16, v15;
	v24 =	vld [tilespmem:$0x1FF10];
	(xrf2) =	vadd.scan.msk.f32 $0xffff, v5;
	v0 =	vadd.f32 v42, v0  }
0x24d: {  	v25 =	vld [tilespmem:$0x1FF20];
	v4 =	vmul.f32 v38, v12;
	v51 =	vadd.f32 v46, v45;
	(xrf2) =	vadd.scan.msk.f32 $0xffff, v44  }
0x24e: {  	v35 =	vld [tilespmem:$0x1FEB0];
	v5 =	vmul.f32 v14, v53;
	v1 =	vadd.f32 v49, v48;
	(xrf2) =	vadd.scan.msk.f32 $0xffff, v0  }
0x24f: {  	v2 =	vmul.f32 v58, v57;
	v38 =	vld [tilespmem:$0x1FEC0];
	v56 =	vadd.f32 v4, v51;
	v4 =	vmul.f32 v60, v59  }
0x250: {  	v34 =	vld [tilespmem:$0x1FEA0];
	v3 =	vmul.f32 v47, v43;
	v1 =	vadd.f32 v5, v1  }
0x251: {  	v63, _, _ =	vpop (xrf2);
	v39 =	vld [tilespmem:$0x1FED0];
	v2 =	vadd.f32 v4, v2;
	v4 =	vmul.f32 v50, v17;
	(xrf2) =	vadd.scan.msk.f32 $0xffff, v56  }
0x252: {  	v29 =	vld [tilespmem:s24+$0x87E0];
	v19, _, _ =	vpop (xrf2);
	v11 =	vmul.f32 v25, v24;
	v1 =	vadd.f32 v3, v1;
	v3 =	vmul.f32 v23, v20  }
0x253: {  	v26 =	vld [tilespmem:s24+$0x7E0];
	v28 =	vmul.f32 v55, v52;
	v27, _, _ =	vpop (xrf2);
	v2 =	vadd.f32 v4, v2  }
0x254: {  	v32 =	vld [tilespmem:s24+$0x7F0];
	v10 =	vmul.f32 v61, v31;
	v30, _, _ =	vpop (xrf2);
	v3 =	vadd.f32 v11, v3;
	(xrf2) =	vadd.scan.msk.f32 $0xffff, v1  }
0x255: {  	v36 =	vld [tilespmem:s24+$0x87F0];
	v5 =	vmul.f32 v18, v62;
	v33, _, _ =	vpop (xrf2);
	v2 =	vadd.f32 v28, v2  }
0x256: {  	v4 =	vmul.f32 v35, v34;
	v9 =	vmul.f32 v39, v38;
	v37, _, _ =	vpop (xrf2);
	v3 =	vadd.f32 v10, v3  }
0x257: {  	(xrf2) =	vadd.scan.msk.f32 $0xffff, v2;
	v40, _, _ =	vpop (xrf2)  }
0x258: {  	v43 =	vmul.f32 v29, v26;
	v42 =	vadd.f32 v9, v4;
	v41 =	vadd.f32 v5, v3;
	v44, _, _ =	vpop (xrf2)  }
0x259: {  	v45 =	vbroadcast v40, $0xF;
	v5 =	vbroadcast v44, $0xF  }
0x25a: {  	v47 =	vmul.f32 v36, v32;
	v46 =	vbroadcast v37, $0xF;
	v3 =	vadd.f32 v43, v42;
	(xrf2) =	vadd.scan.msk.f32 $0xffff, v41  }
0x25b: {  	v1 =	vbroadcast v33, $0xF;
	v49, _, _ =	vpop (xrf2);
	v48 =	vsel vm0, v45, v5  }
0x25c: {  	v3 =	vadd.f32 v47, v3;
	v5 =	vbroadcast v49, $0xF;
	v2 =	vsel vm1, v48, v46  }
0x25d: {  	v50 =	vbroadcast v30, $0xF;
	v1 =	vsel vm2, v2, v1  }
0x25e: {  	v51 =	vbroadcast v27, $0xF;
	(xrf2) =	vadd.scan.msk.f32 $0xffff, v3;
	v52, _, _ =	vpop (xrf2);
	v1 =	vsel vm3, v1, v5  }
0x25f: {  	v53 =	vbroadcast v52, $0xF;
	v1 =	vsel vm4, v1, v50  }
0x260: {  	v0 =	vbroadcast v19, $0xF;
	v1 =	vsel vm5, v1, v51  }
0x261: {  	v55 =	vbroadcast v63, $0xF;
	v56, _, _ =	vpop (xrf2);
	v1 =	vsel vm6, v1, v53  }
0x262: {  	v57 =	vbroadcast v56, $0xF;
	v0 =	vsel vm7, v1, v0  }
0x263: {  	v58 =	vbroadcast v22, $0xF;
	v0 =	vsel vm8, v0, v55  }
0x264: {  	v59 =	vbroadcast v21, $0xF;
	v60, _, _ =	vpop (xrf2);
	v0 =	vsel vm9, v0, v57  }
0x265: {  	v61 =	vbroadcast v60, $0xF;
	v0 =	vsel vm10, v0, v58  }
0x266: {  	v62 =	vbroadcast v54, $0xF;
	v0 =	vsel vm11, v0, v59  }
0x267: {  	v0 =	vsel vm12, v0, v61  }
0x268: {  	v63, _, _ =	vpop (xrf2);
	v0 =	vsel vm13, v0, v62  }
0x269: {  	v0 =	vsel vm14, v0, v63  }
0x26a: {  	v0 =	vsub.f32 $0.0e+00, v0;
	_ =	sdelay $0x1  }
0x26b: {  	v0 =	vmul.f32 $1.442695020e+00, v0;
	_ =	sdelay $0x1  }
0x26c: {  	(erf) = vpow2.f32 v0;
	_ =	sdelay $0x8  }
0x26d: {  	v0 =	vpop (erf)  }
0x26e: {  	v0 =	vadd.f32 $1.000000000e+00, v0;
	_ =	sdelay $0x1  }
0x26f: {  	(erf) = vrcp.f32 v0;
	_ =	sdelay $0x7  }
0x270: {  	s23 =	sadd.s32 $0x1, s23  }
0x271: {  	s26 =	sadd.s32 $0x10, s25;
	p0 =	sne.s32 s23, s14;
	v0 =	vpop (erf)  }
.Ltmp1:
0x272: {  	[tilespmem:s26+$0x0] =	vst v0;
	(pc) =	sbr.rel @p0 .LBB2_1-.Ltmp1, $4  }
0x273: {  	[hbm4b:s13+s1] =	stream.linear.scatter [tilespmem:s2], [sflag:$0x2], $0x200, $0x38;
	[tilespmem:$0x10600] =	vst v63  }
0x274: {  	_ =	swait.ge [sflag:s15], $0x200  }
0x275: {  	[sflag:s15] =	ssyncset.done $0x0  }
0x276: {  	[sflag:s15] =	ssyncadd.s32 $0xFFFFFE00  }
0x277: {  	_ =	sfence.sel $0x180000  }
0x278: {  	[bflag:$0x0] =	sbarrier.arrive $0xFFFF  }
0x279: {  	_ =	strace $0x90000047  }
0x27a: {  	s0 =	stileid.u32;
	[bflag:$0x2] =	sbarrier.arrive $0xFFFF  }
0x27b: {  	p0 =	sne.s32 s0, $0x0;
	s0 =	rddreg [dreg:$0x4]  }
0x27c: {  	s0 =	sadd.s32 @!p0 $0x100000, s0  }
0x27d: {  	[sflag:s0] =	ssyncadd.tile.s32 @!p0 $0x1;
	_ =	shalt  }
.Lfunc_end2:
_tile_overlayer_lowered:
.L_overlay_start_2:
0x27e: {  	(tag) =	ssettag $0x2  }
0x27f: {  	s0 =	rddreg [dreg:$0x0];
	s2 =	stileid.u32  }
0x280: {  	s1 =	rddreg [dreg:$0x1];
	p0 =	sne.s32 s2, $0x0  }
0x281: {  	s3 =	rddreg [dreg:$0x2];
	[bflag:$0x3] =	sbarrier.arrive $0xFFFF;
	s2 =	simm.s32 @!p0 $0x1C02  }
0x282: {  	[timem:s3], [sflag:s2] =	dma.local @!p0 [hbm:s0], s1  }
0x283: {  	s0 =	simm.s32 @!p0 $0x2  }
0x284: {  	_ =	swait.ge @!p0 [sflag:s0], s1  }
0x285: {  	s1 =	ssub.s32 @!p0 $0x0, s1;
	[sflag:s0] =	ssyncset.done @!p0 $0x0  }
0x286: {  	[sflag:s0] =	ssyncadd.s32 @!p0 s1  }
0x287: {  	[bflag:$0x3] =	sbarrier.arrive $0xFFFF  }
0x288: {  	_ =	shalt  }

</sc_bundles>
